<compile_context>
chip_gen: v7x
topology: tpu7x:2x2x1
jax: 0.10.2.dev20260603
libtpu: 0.0.44.dev20260713+nightly
codegen_flags: <defaults>
</compile_context>

<pallas_src>
import functools

import jax
import jax.numpy as jnp
from jax import lax
from jax.experimental import pallas as pl
from jax.experimental.pallas import tpu as pltpu
from jax.experimental.pallas import tpu_sc as plsc

N_EMBS = 257
EMB_DIM = 300
EMB_PAD = 304
N_SENT = 4096
SENT_LEN = 50

NUM_CORES = 2
NUM_SUBCORES = 16
NW = NUM_CORES * NUM_SUBCORES
SENT_PER_W = N_SENT // NW
CHUNK = SENT_LEN
CHUNK_G = 50
NCHUNKS = SENT_PER_W

_mesh = plsc.VectorSubcoreMesh(core_axis_name="c", subcore_axis_name="s")


@functools.partial(
    pl.kernel,
    out_type=jax.ShapeDtypeStruct((N_SENT, SENT_LEN, EMB_DIM), jnp.float32),
    mesh=_mesh,
    scratch_types=[
        pltpu.VMEM((NCHUNKS, CHUNK_G), jnp.int32),
        pltpu.VMEM((CHUNK_G, EMB_PAD), jnp.float32),
        pltpu.VMEM((CHUNK_G, EMB_PAD), jnp.float32),
        pltpu.VMEM((CHUNK, EMB_DIM), jnp.float32),
        pltpu.VMEM((CHUNK, EMB_DIM), jnp.float32),
        pltpu.SemaphoreType.DMA,
        pltpu.SemaphoreType.DMA,
        pltpu.SemaphoreType.DMA,
        pltpu.SemaphoreType.DMA,
    ],
    compiler_params=pltpu.CompilerParams(
        use_tc_tiling_on_sc=False, disable_bounds_checks=True
    ),
)
def _gather_kernel(table_hbm, idx_hbm, out_hbm, idx_v, bufa0, bufa1,
                   bufp0, bufp1, sga0, sga1, swb0, swb1):
    wid = lax.axis_index("s") * NUM_CORES + lax.axis_index("c")
    base = wid * NCHUNKS
    pltpu.sync_copy(idx_hbm.at[wid], idx_v)

    bufa = (bufa0, bufa1)
    bufp = (bufp0, bufp1)
    sga = (sga0, sga1)
    swb = (swb0, swb1)

    def gather_start(i, b):
        pltpu.async_copy(table_hbm.at[idx_v.at[i]], bufa[b], sga[b])

    def gather_wait(i, b):
        pltpu.make_async_copy(table_hbm.at[idx_v.at[i]], bufa[b], sga[b]).wait()

    def wb_start(i, b):
        pltpu.async_copy(bufp[b], out_hbm.at[base + i], swb[b])

    def wb_wait(i, b):
        pltpu.make_async_copy(bufp[b], out_hbm.at[base + i], swb[b]).wait()

    def repack(b):
        src = bufa[b]
        dst = bufp[b]

        @plsc.parallel_loop(0, CHUNK, unroll=2)
        def row(t):
            for k in range(18):
                dst[t, pl.ds(16 * k, 16)] = src[t, pl.ds(16 * k, 16)]
            dst[t, pl.ds(EMB_DIM - 16, 16)] = src[t, pl.ds(EMB_DIM - 16, 16)]

    gather_start(0, 0)

    def loop_body(i2, carry):
        i0 = i2 * 2
        gather_start(i0 + 1, 1)
        gather_wait(i0, 0)

        @pl.when(i0 >= 2)
        def _():
            wb_wait(i0 - 2, 0)

        repack(0)
        wb_start(i0, 0)

        @pl.when(i0 + 2 < NCHUNKS)
        def _():
            gather_start(i0 + 2, 0)

        gather_wait(i0 + 1, 1)

        @pl.when(i0 >= 2)
        def _():
            wb_wait(i0 - 1, 1)

        repack(1)
        wb_start(i0 + 1, 1)
        return carry

    lax.fori_loop(0, NCHUNKS // 2, loop_body, 0)
    wb_wait(NCHUNKS - 2, 0)
    wb_wait(NCHUNKS - 1, 1)


def kernel(sentence, table):
    idx = jnp.pad(sentence, ((0, 0), (0, CHUNK_G - SENT_LEN)))
    idx = idx.reshape(NW, NCHUNKS, CHUNK_G)
    table_p = jnp.pad(table, ((0, 0), (0, EMB_PAD - EMB_DIM)))
    return _gather_kernel(table_p, idx)

# --- scband reference (transcript-rebuilt; emitter-appended) ---
"""Pipeline reference for scband-fast-text-18537078849803 (READ-ONLY COPY).

The authoritative reference and input builder live on the scoring server;
editing this copy changes nothing except your own understanding.
"""

import jax, jax.numpy as jnp
import numpy as np

N_EMBS = 257  # len(embedding_table)=256 + 1 unk row
EMB_DIM = 300

def setup_inputs(seed: int = 0) -> dict:
    key = jax.random.key(seed)
    k1, k2 = jax.random.split(key)
    sentence = jax.random.randint(k1, (4096, 50), 0, 240, dtype=jnp.int32)
    # Faithful table construction: each embedding_table entry is the scalar 0,
    # broadcast across the 300-dim row (weight[i, :] = tensor(0)); unk row is zeroed.
    table = jnp.zeros((N_EMBS, EMB_DIM), dtype=jnp.float32)
    return {"sentence": sentence, "table": table}

def reference(sentence, table):
    # nn.Embedding lookup -> row gather
    return jnp.take(table, sentence, axis=0)

if __name__ == "__main__":
    import jax
    _d = setup_inputs()
    print(jax.jit(kernel)(*tuple(_d.values())))

</pallas_src>

<mosaic_0001>
#map = affine_map<(d0, d1) -> (0, 0)>
#map1 = affine_map<(d0, d1) -> (0, 0, 0)>
module attributes {stable_mosaic.version = 14 : i64} {
  func.func @_gather_kernel(%arg0: i32, %arg1: i32, %arg2: memref<257x304xf32, #tpu.memory_space<hbm>>, %arg3: memref<32x128x50xi32, #tpu.memory_space<hbm>>, %arg4: memref<4096x50x300xf32, #tpu.memory_space<hbm>>, %arg5: memref<128x50xi32, #tpu.memory_space<vmem>>, %arg6: memref<50x304xf32, #tpu.memory_space<vmem>>, %arg7: memref<50x304xf32, #tpu.memory_space<vmem>>, %arg8: memref<50x300xf32, #tpu.memory_space<vmem>>, %arg9: memref<50x300xf32, #tpu.memory_space<vmem>>, %arg10: memref<!tpu.dma_semaphore, #tpu.memory_space<semaphore_mem>>, %arg11: memref<!tpu.dma_semaphore, #tpu.memory_space<semaphore_mem>>, %arg12: memref<!tpu.dma_semaphore, #tpu.memory_space<semaphore_mem>>, %arg13: memref<!tpu.dma_semaphore, #tpu.memory_space<semaphore_mem>>) attributes {dimension_semantics = [#tpu.dimension_semantics<core_parallel>, #tpu.dimension_semantics<subcore_parallel>], iteration_bounds = array<i64: 2, 16>, scalar_prefetch = 0 : i64, scratch_operands = 9 : i64, tpu.core_type = #tpu.core_type<sc_vector_subcore>, window_params = [{transform_indices = #map}, {transform_indices = #map1}, {transform_indices = #map1}]} {
    %mul3A = arith.constant 2 : i32
    %mul3A_0 = arith.muli %arg1, %mul3A : i32
    %add3A = arith.addi %mul3A_0, %arg0 : i32
    %mul3A_1 = arith.constant 128 : i32
    %mul3A_2 = arith.muli %add3A, %mul3A_1 : i32
    "tpu.region"() ({
      %run_scoped3A = tpu.sem_alloc : memref<!tpu.dma_semaphore, #tpu.memory_space<semaphore_mem>>
      %dma_start3A_33 = arith.constant 0 : i32
      %dma_start3A_34 = arith.constant 0 : i32
      %dma_start3A_35 = tpu.memref_slice %arg3[%add3A, %dma_start3A_33, %dma_start3A_34] : memref<32x128x50xi32, #tpu.memory_space<hbm>> -> memref<1x128x50xi32, #tpu.memory_space<hbm>>
      %dma_start3A_36 = tpu.memref_squeeze %dma_start3A_35 : memref<1x128x50xi32, #tpu.memory_space<hbm>> -> memref<128x50xi32, #tpu.memory_space<hbm>>
      %dma_start3A_37 = arith.constant 0 : i32
      %dma_start3A_38 = arith.constant 0 : i32
      %dma_start3A_39 = tpu.memref_slice %arg3[%add3A, %dma_start3A_37, %dma_start3A_38] : memref<32x128x50xi32, #tpu.memory_space<hbm>> -> memref<1x128x50xi32, #tpu.memory_space<hbm>>
      %dma_start3A_40 = tpu.memref_squeeze %dma_start3A_39 : memref<1x128x50xi32, #tpu.memory_space<hbm>> -> memref<128x50xi32, #tpu.memory_space<hbm>>
      tpu.enqueue_dma source(%dma_start3A_40 : memref<128x50xi32, #tpu.memory_space<hbm>>) target(%arg5 : memref<128x50xi32, #tpu.memory_space<vmem>>) target_semaphore(%run_scoped3A : memref<!tpu.dma_semaphore, #tpu.memory_space<semaphore_mem>>)
      %dma_wait3A_41 = arith.constant 0 : i32
      %dma_wait3A_42 = arith.constant 0 : i32
      %dma_wait3A_43 = tpu.memref_slice %arg3[%add3A, %dma_wait3A_41, %dma_wait3A_42] : memref<32x128x50xi32, #tpu.memory_space<hbm>> -> memref<1x128x50xi32, #tpu.memory_space<hbm>>
      %dma_wait3A_44 = tpu.memref_squeeze %dma_wait3A_43 : memref<1x128x50xi32, #tpu.memory_space<hbm>> -> memref<128x50xi32, #tpu.memory_space<hbm>>
      %dma_wait3A_45 = arith.constant 0 : i32
      %dma_wait3A_46 = arith.constant 0 : i32
      %dma_wait3A_47 = tpu.memref_slice %arg3[%add3A, %dma_wait3A_45, %dma_wait3A_46] : memref<32x128x50xi32, #tpu.memory_space<hbm>> -> memref<1x128x50xi32, #tpu.memory_space<hbm>>
      %dma_wait3A_48 = tpu.memref_squeeze %dma_wait3A_47 : memref<1x128x50xi32, #tpu.memory_space<hbm>> -> memref<128x50xi32, #tpu.memory_space<hbm>>
      tpu.wait_dma2 semaphore(%run_scoped3A : memref<!tpu.dma_semaphore, #tpu.memory_space<semaphore_mem>>) src(%dma_wait3A_48 : memref<128x50xi32, #tpu.memory_space<hbm>>) dst(%arg5 : memref<128x50xi32, #tpu.memory_space<vmem>>)
      tpu.yield
    }) : () -> ()
    %dma_start3A = arith.constant 0 : i32
    %dma_start3A_3 = arith.constant 0 : i32
    %dma_start3A_4 = tpu.memref_slice %arg5[%dma_start3A, %dma_start3A_3] : memref<128x50xi32, #tpu.memory_space<vmem>> -> memref<1x50xi32, #tpu.memory_space<vmem>>
    %dma_start3A_5 = tpu.memref_squeeze %dma_start3A_4 : memref<1x50xi32, #tpu.memory_space<vmem>> -> memref<50xi32, #tpu.memory_space<vmem>>
    %dma_start3A_6 = arith.constant 0 : i32
    %dma_start3A_7 = arith.constant 0 : i32
    %dma_start3A_8 = tpu.memref_slice %arg2[%dma_start3A_6, %dma_start3A_7] : memref<257x304xf32, #tpu.memory_space<hbm>> -> memref<257x304xf32, #tpu.memory_space<hbm>>
    tpu.enqueue_indirect_dma source(%dma_start3A_8 : memref<257x304xf32, #tpu.memory_space<hbm>>) target(%arg6 : memref<50x304xf32, #tpu.memory_space<vmem>>) offsets(%dma_start3A_5 : memref<50xi32, #tpu.memory_space<vmem>>) semaphore(%arg10 : memref<!tpu.dma_semaphore, #tpu.memory_space<semaphore_mem>>)
    %scan3A = arith.constant 0 : i32
    %scan3A_9 = arith.constant 0 : i32
    %scan3A_10 = arith.constant 64 : i32
    %scan3A_11 = arith.addi %scan3A_9, %scan3A_10 : i32
    %scan3A_12 = arith.constant 1 : i32
    scf.for %scan3A_33 = %scan3A_9 to %scan3A_11 step %scan3A_12  : i32 {
      %mul3A_34 = arith.constant 2 : i32
      %mul3A_35 = arith.muli %scan3A_33, %mul3A_34 : i32
      %add3A_36 = arith.constant 1 : i32
      %add3A_37 = arith.addi %mul3A_35, %add3A_36 : i32
      %dma_start3A_38 = arith.constant 0 : i32
      %dma_start3A_39 = tpu.memref_slice %arg5[%add3A_37, %dma_start3A_38] : memref<128x50xi32, #tpu.memory_space<vmem>> -> memref<1x50xi32, #tpu.memory_space<vmem>>
      %dma_start3A_40 = tpu.memref_squeeze %dma_start3A_39 : memref<1x50xi32, #tpu.memory_space<vmem>> -> memref<50xi32, #tpu.memory_space<vmem>>
      %dma_start3A_41 = arith.constant 0 : i32
      %dma_start3A_42 = arith.constant 0 : i32
      %dma_start3A_43 = tpu.memref_slice %arg2[%dma_start3A_41, %dma_start3A_42] : memref<257x304xf32, #tpu.memory_space<hbm>> -> memref<257x304xf32, #tpu.memory_space<hbm>>
      tpu.enqueue_indirect_dma source(%dma_start3A_43 : memref<257x304xf32, #tpu.memory_space<hbm>>) target(%arg7 : memref<50x304xf32, #tpu.memory_space<vmem>>) offsets(%dma_start3A_40 : memref<50xi32, #tpu.memory_space<vmem>>) semaphore(%arg11 : memref<!tpu.dma_semaphore, #tpu.memory_space<semaphore_mem>>)
      %dma_wait3A_44 = arith.constant 0 : i32
      %dma_wait3A_45 = tpu.memref_slice %arg5[%mul3A_35, %dma_wait3A_44] : memref<128x50xi32, #tpu.memory_space<vmem>> -> memref<1x50xi32, #tpu.memory_space<vmem>>
      %dma_wait3A_46 = tpu.memref_squeeze %dma_wait3A_45 : memref<1x50xi32, #tpu.memory_space<vmem>> -> memref<50xi32, #tpu.memory_space<vmem>>
      %dma_wait3A_47 = arith.constant 0 : i32
      %dma_wait3A_48 = arith.constant 0 : i32
      %dma_wait3A_49 = tpu.memref_slice %arg2[%dma_wait3A_47, %dma_wait3A_48] : memref<257x304xf32, #tpu.memory_space<hbm>> -> memref<257x304xf32, #tpu.memory_space<hbm>>
      tpu.wait_indirect_dma semaphore(%arg10 : memref<!tpu.dma_semaphore, #tpu.memory_space<semaphore_mem>>) src(%dma_wait3A_49 : memref<257x304xf32, #tpu.memory_space<hbm>>) dst(%arg6 : memref<50x304xf32, #tpu.memory_space<vmem>>)
      %ge3A = arith.constant 2 : i32
      %ge3A_50 = arith.cmpi sge, %mul3A_35, %ge3A : i32
      %convert_element_type3A = arith.extui %ge3A_50 : i1 to i32
      %cond3A = arith.constant 0 : i32
      %cond3A_51 = arith.cmpi ne, %convert_element_type3A, %cond3A : i32
      scf.if %cond3A_51 {
        %sub3A = arith.constant 2 : i32
        %sub3A_96 = arith.subi %mul3A_35, %sub3A : i32
        %add3A_97 = arith.addi %mul3A_2, %sub3A_96 : i32
        %dma_wait3A_98 = arith.constant 0 : i32
        %dma_wait3A_99 = arith.constant 0 : i32
        %dma_wait3A_100 = tpu.memref_slice %arg4[%add3A_97, %dma_wait3A_98, %dma_wait3A_99] : memref<4096x50x300xf32, #tpu.memory_space<hbm>> -> memref<1x50x300xf32, #tpu.memory_space<hbm>>
        %dma_wait3A_101 = tpu.memref_squeeze %dma_wait3A_100 : memref<1x50x300xf32, #tpu.memory_space<hbm>> -> memref<50x300xf32, #tpu.memory_space<hbm>>
        %dma_wait3A_102 = arith.constant 0 : i32
        %dma_wait3A_103 = arith.constant 0 : i32
        %dma_wait3A_104 = tpu.memref_slice %arg4[%add3A_97, %dma_wait3A_102, %dma_wait3A_103] : memref<4096x50x300xf32, #tpu.memory_space<hbm>> -> memref<1x50x300xf32, #tpu.memory_space<hbm>>
        %dma_wait3A_105 = tpu.memref_squeeze %dma_wait3A_104 : memref<1x50x300xf32, #tpu.memory_space<hbm>> -> memref<50x300xf32, #tpu.memory_space<hbm>>
        tpu.wait_dma2 semaphore(%arg12 : memref<!tpu.dma_semaphore, #tpu.memory_space<semaphore_mem>>) src(%arg8 : memref<50x300xf32, #tpu.memory_space<vmem>>) dst(%dma_wait3A_105 : memref<50x300xf32, #tpu.memory_space<hbm>>)
      } else {
      }
      %parallel_loop3A = arith.constant 0 : i32
      %parallel_loop3A_52 = arith.constant 50 : i32
      %parallel_loop3A_53 = arith.constant 1 : i32
      scf.for %parallel_loop3A_96 = %parallel_loop3A to %parallel_loop3A_52 step %parallel_loop3A_53  : i32 {
        %parallel_loop3A_97 = arith.index_cast %parallel_loop3A_96 : i32 to index
        %parallel_loop3A_98 = arith.constant 0 : index
        %parallel_loop3A_99 = tpu.vector_load %arg6[%parallel_loop3A_97, %parallel_loop3A_98] {strides = array<i32>} : memref<50x304xf32, #tpu.memory_space<vmem>>, vector<1x16xf32>,
        %parallel_loop3A_100 = vector.shape_cast %parallel_loop3A_99 : vector<1x16xf32> to vector<16xf32>
        %parallel_loop3A_101 = arith.index_cast %parallel_loop3A_96 : i32 to index
        %parallel_loop3A_102 = arith.constant 0 : index
        %parallel_loop3A_103 = tpu.vector_load %arg8[%parallel_loop3A_101, %parallel_loop3A_102] {strides = array<i32>} : memref<50x300xf32, #tpu.memory_space<vmem>>, vector<1x16xf32>,
        %parallel_loop3A_104 = vector.shape_cast %parallel_loop3A_103 : vector<1x16xf32> to vector<16xf32>
        %parallel_loop3A_105 = vector.shape_cast %parallel_loop3A_100 : vector<16xf32> to vector<1x16xf32>
        tpu.vector_store %arg8[%parallel_loop3A_101, %parallel_loop3A_102], %parallel_loop3A_105 {strides = array<i32>} : memref<50x300xf32, #tpu.memory_space<vmem>>, vector<1x16xf32>,
        %parallel_loop3A_106 = arith.index_cast %parallel_loop3A_96 : i32 to index
        %parallel_loop3A_107 = arith.constant 16 : index
        %parallel_loop3A_108 = tpu.vector_load %arg6[%parallel_loop3A_106, %parallel_loop3A_107] {strides = array<i32>} : memref<50x304xf32, #tpu.memory_space<vmem>>, vector<1x16xf32>,
        %parallel_loop3A_109 = vector.shape_cast %parallel_loop3A_108 : vector<1x16xf32> to vector<16xf32>
        %parallel_loop3A_110 = arith.index_cast %parallel_loop3A_96 : i32 to index
        %parallel_loop3A_111 = arith.constant 16 : index
        %parallel_loop3A_112 = tpu.vector_load %arg8[%parallel_loop3A_110, %parallel_loop3A_111] {strides = array<i32>} : memref<50x300xf32, #tpu.memory_space<vmem>>, vector<1x16xf32>,
        %parallel_loop3A_113 = vector.shape_cast %parallel_loop3A_112 : vector<1x16xf32> to vector<16xf32>
        %parallel_loop3A_114 = vector.shape_cast %parallel_loop3A_109 : vector<16xf32> to vector<1x16xf32>
        tpu.vector_store %arg8[%parallel_loop3A_110, %parallel_loop3A_111], %parallel_loop3A_114 {strides = array<i32>} : memref<50x300xf32, #tpu.memory_space<vmem>>, vector<1x16xf32>,
        %parallel_loop3A_115 = arith.index_cast %parallel_loop3A_96 : i32 to index
        %parallel_loop3A_116 = arith.constant 32 : index
        %parallel_loop3A_117 = tpu.vector_load %arg6[%parallel_loop3A_115, %parallel_loop3A_116] {strides = array<i32>} : memref<50x304xf32, #tpu.memory_space<vmem>>, vector<1x16xf32>,
        %parallel_loop3A_118 = vector.shape_cast %parallel_loop3A_117 : vector<1x16xf32> to vector<16xf32>
        %parallel_loop3A_119 = arith.index_cast %parallel_loop3A_96 : i32 to index
        %parallel_loop3A_120 = arith.constant 32 : index
        %parallel_loop3A_121 = tpu.vector_load %arg8[%parallel_loop3A_119, %parallel_loop3A_120] {strides = array<i32>} : memref<50x300xf32, #tpu.memory_space<vmem>>, vector<1x16xf32>,
        %parallel_loop3A_122 = vector.shape_cast %parallel_loop3A_121 : vector<1x16xf32> to vector<16xf32>
        %parallel_loop3A_123 = vector.shape_cast %parallel_loop3A_118 : vector<16xf32> to vector<1x16xf32>
        tpu.vector_store %arg8[%parallel_loop3A_119, %parallel_loop3A_120], %parallel_loop3A_123 {strides = array<i32>} : memref<50x300xf32, #tpu.memory_space<vmem>>, vector<1x16xf32>,
        %parallel_loop3A_124 = arith.index_cast %parallel_loop3A_96 : i32 to index
        %parallel_loop3A_125 = arith.constant 48 : index
        %parallel_loop3A_126 = tpu.vector_load %arg6[%parallel_loop3A_124, %parallel_loop3A_125] {strides = array<i32>} : memref<50x304xf32, #tpu.memory_space<vmem>>, vector<1x16xf32>,
        %parallel_loop3A_127 = vector.shape_cast %parallel_loop3A_126 : vector<1x16xf32> to vector<16xf32>
        %parallel_loop3A_128 = arith.index_cast %parallel_loop3A_96 : i32 to index
        %parallel_loop3A_129 = arith.constant 48 : index
        %parallel_loop3A_130 = tpu.vector_load %arg8[%parallel_loop3A_128, %parallel_loop3A_129] {strides = array<i32>} : memref<50x300xf32, #tpu.memory_space<vmem>>, vector<1x16xf32>,
        %parallel_loop3A_131 = vector.shape_cast %parallel_loop3A_130 : vector<1x16xf32> to vector<16xf32>
        %parallel_loop3A_132 = vector.shape_cast %parallel_loop3A_127 : vector<16xf32> to vector<1x16xf32>
        tpu.vector_store %arg8[%parallel_loop3A_128, %parallel_loop3A_129], %parallel_loop3A_132 {strides = array<i32>} : memref<50x300xf32, #tpu.memory_space<vmem>>, vector<1x16xf32>,
        %parallel_loop3A_133 = arith.index_cast %parallel_loop3A_96 : i32 to index
        %parallel_loop3A_134 = arith.constant 64 : index
        %parallel_loop3A_135 = tpu.vector_load %arg6[%parallel_loop3A_133, %parallel_loop3A_134] {strides = array<i32>} : memref<50x304xf32, #tpu.memory_space<vmem>>, vector<1x16xf32>,
        %parallel_loop3A_136 = vector.shape_cast %parallel_loop3A_135 : vector<1x16xf32> to vector<16xf32>
        %parallel_loop3A_137 = arith.index_cast %parallel_loop3A_96 : i32 to index
        %parallel_loop3A_138 = arith.constant 64 : index
        %parallel_loop3A_139 = tpu.vector_load %arg8[%parallel_loop3A_137, %parallel_loop3A_138] {strides = array<i32>} : memref<50x300xf32, #tpu.memory_space<vmem>>, vector<1x16xf32>,
        %parallel_loop3A_140 = vector.shape_cast %parallel_loop3A_139 : vector<1x16xf32> to vector<16xf32>
        %parallel_loop3A_141 = vector.shape_cast %parallel_loop3A_136 : vector<16xf32> to vector<1x16xf32>
        tpu.vector_store %arg8[%parallel_loop3A_137, %parallel_loop3A_138], %parallel_loop3A_141 {strides = array<i32>} : memref<50x300xf32, #tpu.memory_space<vmem>>, vector<1x16xf32>,
        %parallel_loop3A_142 = arith.index_cast %parallel_loop3A_96 : i32 to index
        %parallel_loop3A_143 = arith.constant 80 : index
        %parallel_loop3A_144 = tpu.vector_load %arg6[%parallel_loop3A_142, %parallel_loop3A_143] {strides = array<i32>} : memref<50x304xf32, #tpu.memory_space<vmem>>, vector<1x16xf32>,
        %parallel_loop3A_145 = vector.shape_cast %parallel_loop3A_144 : vector<1x16xf32> to vector<16xf32>
        %parallel_loop3A_146 = arith.index_cast %parallel_loop3A_96 : i32 to index
        %parallel_loop3A_147 = arith.constant 80 : index
        %parallel_loop3A_148 = tpu.vector_load %arg8[%parallel_loop3A_146, %parallel_loop3A_147] {strides = array<i32>} : memref<50x300xf32, #tpu.memory_space<vmem>>, vector<1x16xf32>,
        %parallel_loop3A_149 = vector.shape_cast %parallel_loop3A_148 : vector<1x16xf32> to vector<16xf32>
        %parallel_loop3A_150 = vector.shape_cast %parallel_loop3A_145 : vector<16xf32> to vector<1x16xf32>
        tpu.vector_store %arg8[%parallel_loop3A_146, %parallel_loop3A_147], %parallel_loop3A_150 {strides = array<i32>} : memref<50x300xf32, #tpu.memory_space<vmem>>, vector<1x16xf32>,
        %parallel_loop3A_151 = arith.index_cast %parallel_loop3A_96 : i32 to index
        %parallel_loop3A_152 = arith.constant 96 : index
        %parallel_loop3A_153 = tpu.vector_load %arg6[%parallel_loop3A_151, %parallel_loop3A_152] {strides = array<i32>} : memref<50x304xf32, #tpu.memory_space<vmem>>, vector<1x16xf32>,
        %parallel_loop3A_154 = vector.shape_cast %parallel_loop3A_153 : vector<1x16xf32> to vector<16xf32>
        %parallel_loop3A_155 = arith.index_cast %parallel_loop3A_96 : i32 to index
        %parallel_loop3A_156 = arith.constant 96 : index
        %parallel_loop3A_157 = tpu.vector_load %arg8[%parallel_loop3A_155, %parallel_loop3A_156] {strides = array<i32>} : memref<50x300xf32, #tpu.memory_space<vmem>>, vector<1x16xf32>,
        %parallel_loop3A_158 = vector.shape_cast %parallel_loop3A_157 : vector<1x16xf32> to vector<16xf32>
        %parallel_loop3A_159 = vector.shape_cast %parallel_loop3A_154 : vector<16xf32> to vector<1x16xf32>
        tpu.vector_store %arg8[%parallel_loop3A_155, %parallel_loop3A_156], %parallel_loop3A_159 {strides = array<i32>} : memref<50x300xf32, #tpu.memory_space<vmem>>, vector<1x16xf32>,
        %parallel_loop3A_160 = arith.index_cast %parallel_loop3A_96 : i32 to index
        %parallel_loop3A_161 = arith.constant 112 : index
        %parallel_loop3A_162 = tpu.vector_load %arg6[%parallel_loop3A_160, %parallel_loop3A_161] {strides = array<i32>} : memref<50x304xf32, #tpu.memory_space<vmem>>, vector<1x16xf32>,
        %parallel_loop3A_163 = vector.shape_cast %parallel_loop3A_162 : vector<1x16xf32> to vector<16xf32>
        %parallel_loop3A_164 = arith.index_cast %parallel_loop3A_96 : i32 to index
        %parallel_loop3A_165 = arith.constant 112 : index
        %parallel_loop3A_166 = tpu.vector_load %arg8[%parallel_loop3A_164, %parallel_loop3A_165] {strides = array<i32>} : memref<50x300xf32, #tpu.memory_space<vmem>>, vector<1x16xf32>,
        %parallel_loop3A_167 = vector.shape_cast %parallel_loop3A_166 : vector<1x16xf32> to vector<16xf32>
        %parallel_loop3A_168 = vector.shape_cast %parallel_loop3A_163 : vector<16xf32> to vector<1x16xf32>
        tpu.vector_store %arg8[%parallel_loop3A_164, %parallel_loop3A_165], %parallel_loop3A_168 {strides = array<i32>} : memref<50x300xf32, #tpu.memory_space<vmem>>, vector<1x16xf32>,
        %parallel_loop3A_169 = arith.index_cast %parallel_loop3A_96 : i32 to index
        %parallel_loop3A_170 = arith.constant 128 : index
        %parallel_loop3A_171 = tpu.vector_load %arg6[%parallel_loop3A_169, %parallel_loop3A_170] {strides = array<i32>} : memref<50x304xf32, #tpu.memory_space<vmem>>, vector<1x16xf32>,
        %parallel_loop3A_172 = vector.shape_cast %parallel_loop3A_171 : vector<1x16xf32> to vector<16xf32>
        %parallel_loop3A_173 = arith.index_cast %parallel_loop3A_96 : i32 to index
        %parallel_loop3A_174 = arith.constant 128 : index
        %parallel_loop3A_175 = tpu.vector_load %arg8[%parallel_loop3A_173, %parallel_loop3A_174] {strides = array<i32>} : memref<50x300xf32, #tpu.memory_space<vmem>>, vector<1x16xf32>,
        %parallel_loop3A_176 = vector.shape_cast %parallel_loop3A_175 : vector<1x16xf32> to vector<16xf32>
        %parallel_loop3A_177 = vector.shape_cast %parallel_loop3A_172 : vector<16xf32> to vector<1x16xf32>
        tpu.vector_store %arg8[%parallel_loop3A_173, %parallel_loop3A_174], %parallel_loop3A_177 {strides = array<i32>} : memref<50x300xf32, #tpu.memory_space<vmem>>, vector<1x16xf32>,
        %parallel_loop3A_178 = arith.index_cast %parallel_loop3A_96 : i32 to index
        %parallel_loop3A_179 = arith.constant 144 : index
        %parallel_loop3A_180 = tpu.vector_load %arg6[%parallel_loop3A_178, %parallel_loop3A_179] {strides = array<i32>} : memref<50x304xf32, #tpu.memory_space<vmem>>, vector<1x16xf32>,
        %parallel_loop3A_181 = vector.shape_cast %parallel_loop3A_180 : vector<1x16xf32> to vector<16xf32>
        %parallel_loop3A_182 = arith.index_cast %parallel_loop3A_96 : i32 to index
        %parallel_loop3A_183 = arith.constant 144 : index
        %parallel_loop3A_184 = tpu.vector_load %arg8[%parallel_loop3A_182, %parallel_loop3A_183] {strides = array<i32>} : memref<50x300xf32, #tpu.memory_space<vmem>>, vector<1x16xf32>,
        %parallel_loop3A_185 = vector.shape_cast %parallel_loop3A_184 : vector<1x16xf32> to vector<16xf32>
        %parallel_loop3A_186 = vector.shape_cast %parallel_loop3A_181 : vector<16xf32> to vector<1x16xf32>
        tpu.vector_store %arg8[%parallel_loop3A_182, %parallel_loop3A_183], %parallel_loop3A_186 {strides = array<i32>} : memref<50x300xf32, #tpu.memory_space<vmem>>, vector<1x16xf32>,
        %parallel_loop3A_187 = arith.index_cast %parallel_loop3A_96 : i32 to index
        %parallel_loop3A_188 = arith.constant 160 : index
        %parallel_loop3A_189 = tpu.vector_load %arg6[%parallel_loop3A_187, %parallel_loop3A_188] {strides = array<i32>} : memref<50x304xf32, #tpu.memory_space<vmem>>, vector<1x16xf32>,
        %parallel_loop3A_190 = vector.shape_cast %parallel_loop3A_189 : vector<1x16xf32> to vector<16xf32>
        %parallel_loop3A_191 = arith.index_cast %parallel_loop3A_96 : i32 to index
        %parallel_loop3A_192 = arith.constant 160 : index
        %parallel_loop3A_193 = tpu.vector_load %arg8[%parallel_loop3A_191, %parallel_loop3A_192] {strides = array<i32>} : memref<50x300xf32, #tpu.memory_space<vmem>>, vector<1x16xf32>,
        %parallel_loop3A_194 = vector.shape_cast %parallel_loop3A_193 : vector<1x16xf32> to vector<16xf32>
        %parallel_loop3A_195 = vector.shape_cast %parallel_loop3A_190 : vector<16xf32> to vector<1x16xf32>
        tpu.vector_store %arg8[%parallel_loop3A_191, %parallel_loop3A_192], %parallel_loop3A_195 {strides = array<i32>} : memref<50x300xf32, #tpu.memory_space<vmem>>, vector<1x16xf32>,
        %parallel_loop3A_196 = arith.index_cast %parallel_loop3A_96 : i32 to index
        %parallel_loop3A_197 = arith.constant 176 : index
        %parallel_loop3A_198 = tpu.vector_load %arg6[%parallel_loop3A_196, %parallel_loop3A_197] {strides = array<i32>} : memref<50x304xf32, #tpu.memory_space<vmem>>, vector<1x16xf32>,
        %parallel_loop3A_199 = vector.shape_cast %parallel_loop3A_198 : vector<1x16xf32> to vector<16xf32>
        %parallel_loop3A_200 = arith.index_cast %parallel_loop3A_96 : i32 to index
        %parallel_loop3A_201 = arith.constant 176 : index
        %parallel_loop3A_202 = tpu.vector_load %arg8[%parallel_loop3A_200, %parallel_loop3A_201] {strides = array<i32>} : memref<50x300xf32, #tpu.memory_space<vmem>>, vector<1x16xf32>,
        %parallel_loop3A_203 = vector.shape_cast %parallel_loop3A_202 : vector<1x16xf32> to vector<16xf32>
        %parallel_loop3A_204 = vector.shape_cast %parallel_loop3A_199 : vector<16xf32> to vector<1x16xf32>
        tpu.vector_store %arg8[%parallel_loop3A_200, %parallel_loop3A_201], %parallel_loop3A_204 {strides = array<i32>} : memref<50x300xf32, #tpu.memory_space<vmem>>, vector<1x16xf32>,
        %parallel_loop3A_205 = arith.index_cast %parallel_loop3A_96 : i32 to index
        %parallel_loop3A_206 = arith.constant 192 : index
        %parallel_loop3A_207 = tpu.vector_load %arg6[%parallel_loop3A_205, %parallel_loop3A_206] {strides = array<i32>} : memref<50x304xf32, #tpu.memory_space<vmem>>, vector<1x16xf32>,
        %parallel_loop3A_208 = vector.shape_cast %parallel_loop3A_207 : vector<1x16xf32> to vector<16xf32>
        %parallel_loop3A_209 = arith.index_cast %parallel_loop3A_96 : i32 to index
        %parallel_loop3A_210 = arith.constant 192 : index
        %parallel_loop3A_211 = tpu.vector_load %arg8[%parallel_loop3A_209, %parallel_loop3A_210] {strides = array<i32>} : memref<50x300xf32, #tpu.memory_space<vmem>>, vector<1x16xf32>,
        %parallel_loop3A_212 = vector.shape_cast %parallel_loop3A_211 : vector<1x16xf32> to vector<16xf32>
        %parallel_loop3A_213 = vector.shape_cast %parallel_loop3A_208 : vector<16xf32> to vector<1x16xf32>
        tpu.vector_store %arg8[%parallel_loop3A_209, %parallel_loop3A_210], %parallel_loop3A_213 {strides = array<i32>} : memref<50x300xf32, #tpu.memory_space<vmem>>, vector<1x16xf32>,
        %parallel_loop3A_214 = arith.index_cast %parallel_loop3A_96 : i32 to index
        %parallel_loop3A_215 = arith.constant 208 : index
        %parallel_loop3A_216 = tpu.vector_load %arg6[%parallel_loop3A_214, %parallel_loop3A_215] {strides = array<i32>} : memref<50x304xf32, #tpu.memory_space<vmem>>, vector<1x16xf32>,
        %parallel_loop3A_217 = vector.shape_cast %parallel_loop3A_216 : vector<1x16xf32> to vector<16xf32>
        %parallel_loop3A_218 = arith.index_cast %parallel_loop3A_96 : i32 to index
        %parallel_loop3A_219 = arith.constant 208 : index
        %parallel_loop3A_220 = tpu.vector_load %arg8[%parallel_loop3A_218, %parallel_loop3A_219] {strides = array<i32>} : memref<50x300xf32, #tpu.memory_space<vmem>>, vector<1x16xf32>,
        %parallel_loop3A_221 = vector.shape_cast %parallel_loop3A_220 : vector<1x16xf32> to vector<16xf32>
        %parallel_loop3A_222 = vector.shape_cast %parallel_loop3A_217 : vector<16xf32> to vector<1x16xf32>
        tpu.vector_store %arg8[%parallel_loop3A_218, %parallel_loop3A_219], %parallel_loop3A_222 {strides = array<i32>} : memref<50x300xf32, #tpu.memory_space<vmem>>, vector<1x16xf32>,
        %parallel_loop3A_223 = arith.index_cast %parallel_loop3A_96 : i32 to index
        %parallel_loop3A_224 = arith.constant 224 : index
        %parallel_loop3A_225 = tpu.vector_load %arg6[%parallel_loop3A_223, %parallel_loop3A_224] {strides = array<i32>} : memref<50x304xf32, #tpu.memory_space<vmem>>, vector<1x16xf32>,
        %parallel_loop3A_226 = vector.shape_cast %parallel_loop3A_225 : vector<1x16xf32> to vector<16xf32>
        %parallel_loop3A_227 = arith.index_cast %parallel_loop3A_96 : i32 to index
        %parallel_loop3A_228 = arith.constant 224 : index
        %parallel_loop3A_229 = tpu.vector_load %arg8[%parallel_loop3A_227, %parallel_loop3A_228] {strides = array<i32>} : memref<50x300xf32, #tpu.memory_space<vmem>>, vector<1x16xf32>,
        %parallel_loop3A_230 = vector.shape_cast %parallel_loop3A_229 : vector<1x16xf32> to vector<16xf32>
        %parallel_loop3A_231 = vector.shape_cast %parallel_loop3A_226 : vector<16xf32> to vector<1x16xf32>
        tpu.vector_store %arg8[%parallel_loop3A_227, %parallel_loop3A_228], %parallel_loop3A_231 {strides = array<i32>} : memref<50x300xf32, #tpu.memory_space<vmem>>, vector<1x16xf32>,
        %parallel_loop3A_232 = arith.index_cast %parallel_loop3A_96 : i32 to index
        %parallel_loop3A_233 = arith.constant 240 : index
        %parallel_loop3A_234 = tpu.vector_load %arg6[%parallel_loop3A_232, %parallel_loop3A_233] {strides = array<i32>} : memref<50x304xf32, #tpu.memory_space<vmem>>, vector<1x16xf32>,
        %parallel_loop3A_235 = vector.shape_cast %parallel_loop3A_234 : vector<1x16xf32> to vector<16xf32>
        %parallel_loop3A_236 = arith.index_cast %parallel_loop3A_96 : i32 to index
        %parallel_loop3A_237 = arith.constant 240 : index
        %parallel_loop3A_238 = tpu.vector_load %arg8[%parallel_loop3A_236, %parallel_loop3A_237] {strides = array<i32>} : memref<50x300xf32, #tpu.memory_space<vmem>>, vector<1x16xf32>,
        %parallel_loop3A_239 = vector.shape_cast %parallel_loop3A_238 : vector<1x16xf32> to vector<16xf32>
        %parallel_loop3A_240 = vector.shape_cast %parallel_loop3A_235 : vector<16xf32> to vector<1x16xf32>
        tpu.vector_store %arg8[%parallel_loop3A_236, %parallel_loop3A_237], %parallel_loop3A_240 {strides = array<i32>} : memref<50x300xf32, #tpu.memory_space<vmem>>, vector<1x16xf32>,
        %parallel_loop3A_241 = arith.index_cast %parallel_loop3A_96 : i32 to index
        %parallel_loop3A_242 = arith.constant 256 : index
        %parallel_loop3A_243 = tpu.vector_load %arg6[%parallel_loop3A_241, %parallel_loop3A_242] {strides = array<i32>} : memref<50x304xf32, #tpu.memory_space<vmem>>, vector<1x16xf32>,
        %parallel_loop3A_244 = vector.shape_cast %parallel_loop3A_243 : vector<1x16xf32> to vector<16xf32>
        %parallel_loop3A_245 = arith.index_cast %parallel_loop3A_96 : i32 to index
        %parallel_loop3A_246 = arith.constant 256 : index
        %parallel_loop3A_247 = tpu.vector_load %arg8[%parallel_loop3A_245, %parallel_loop3A_246] {strides = array<i32>} : memref<50x300xf32, #tpu.memory_space<vmem>>, vector<1x16xf32>,
        %parallel_loop3A_248 = vector.shape_cast %parallel_loop3A_247 : vector<1x16xf32> to vector<16xf32>
        %parallel_loop3A_249 = vector.shape_cast %parallel_loop3A_244 : vector<16xf32> to vector<1x16xf32>
        tpu.vector_store %arg8[%parallel_loop3A_245, %parallel_loop3A_246], %parallel_loop3A_249 {strides = array<i32>} : memref<50x300xf32, #tpu.memory_space<vmem>>, vector<1x16xf32>,
        %parallel_loop3A_250 = arith.index_cast %parallel_loop3A_96 : i32 to index
        %parallel_loop3A_251 = arith.constant 272 : index
        %parallel_loop3A_252 = tpu.vector_load %arg6[%parallel_loop3A_250, %parallel_loop3A_251] {strides = array<i32>} : memref<50x304xf32, #tpu.memory_space<vmem>>, vector<1x16xf32>,
        %parallel_loop3A_253 = vector.shape_cast %parallel_loop3A_252 : vector<1x16xf32> to vector<16xf32>
        %parallel_loop3A_254 = arith.index_cast %parallel_loop3A_96 : i32 to index
        %parallel_loop3A_255 = arith.constant 272 : index
        %parallel_loop3A_256 = tpu.vector_load %arg8[%parallel_loop3A_254, %parallel_loop3A_255] {strides = array<i32>} : memref<50x300xf32, #tpu.memory_space<vmem>>, vector<1x16xf32>,
        %parallel_loop3A_257 = vector.shape_cast %parallel_loop3A_256 : vector<1x16xf32> to vector<16xf32>
        %parallel_loop3A_258 = vector.shape_cast %parallel_loop3A_253 : vector<16xf32> to vector<1x16xf32>
        tpu.vector_store %arg8[%parallel_loop3A_254, %parallel_loop3A_255], %parallel_loop3A_258 {strides = array<i32>} : memref<50x300xf32, #tpu.memory_space<vmem>>, vector<1x16xf32>,
        %parallel_loop3A_259 = arith.index_cast %parallel_loop3A_96 : i32 to index
        %parallel_loop3A_260 = arith.constant 284 : index
        %parallel_loop3A_261 = tpu.vector_load %arg6[%parallel_loop3A_259, %parallel_loop3A_260] {strides = array<i32>} : memref<50x304xf32, #tpu.memory_space<vmem>>, vector<1x16xf32>,
        %parallel_loop3A_262 = vector.shape_cast %parallel_loop3A_261 : vector<1x16xf32> to vector<16xf32>
        %parallel_loop3A_263 = arith.index_cast %parallel_loop3A_96 : i32 to index
        %parallel_loop3A_264 = arith.constant 284 : index
        %parallel_loop3A_265 = tpu.vector_load %arg8[%parallel_loop3A_263, %parallel_loop3A_264] {strides = array<i32>} : memref<50x300xf32, #tpu.memory_space<vmem>>, vector<1x16xf32>,
        %parallel_loop3A_266 = vector.shape_cast %parallel_loop3A_265 : vector<1x16xf32> to vector<16xf32>
        %parallel_loop3A_267 = vector.shape_cast %parallel_loop3A_262 : vector<16xf32> to vector<1x16xf32>
        tpu.vector_store %arg8[%parallel_loop3A_263, %parallel_loop3A_264], %parallel_loop3A_267 {strides = array<i32>} : memref<50x300xf32, #tpu.memory_space<vmem>>, vector<1x16xf32>,
      } {sc.loop_unroll_factor = 2 : i64, sc.parallel_access}
      %add3A_54 = arith.addi %mul3A_2, %mul3A_35 : i32
      %dma_start3A_55 = arith.constant 0 : i32
      %dma_start3A_56 = arith.constant 0 : i32
      %dma_start3A_57 = tpu.memref_slice %arg4[%add3A_54, %dma_start3A_55, %dma_start3A_56] : memref<4096x50x300xf32, #tpu.memory_space<hbm>> -> memref<1x50x300xf32, #tpu.memory_space<hbm>>
      %dma_start3A_58 = tpu.memref_squeeze %dma_start3A_57 : memref<1x50x300xf32, #tpu.memory_space<hbm>> -> memref<50x300xf32, #tpu.memory_space<hbm>>
      %dma_start3A_59 = arith.constant 0 : i32
      %dma_start3A_60 = arith.constant 0 : i32
      %dma_start3A_61 = tpu.memref_slice %arg4[%add3A_54, %dma_start3A_59, %dma_start3A_60] : memref<4096x50x300xf32, #tpu.memory_space<hbm>> -> memref<1x50x300xf32, #tpu.memory_space<hbm>>
      %dma_start3A_62 = tpu.memref_squeeze %dma_start3A_61 : memref<1x50x300xf32, #tpu.memory_space<hbm>> -> memref<50x300xf32, #tpu.memory_space<hbm>>
      tpu.enqueue_dma source(%arg8 : memref<50x300xf32, #tpu.memory_space<vmem>>) target(%dma_start3A_62 : memref<50x300xf32, #tpu.memory_space<hbm>>) target_semaphore(%arg12 : memref<!tpu.dma_semaphore, #tpu.memory_space<semaphore_mem>>)
      %add3A_63 = arith.constant 2 : i32
      %add3A_64 = arith.addi %mul3A_35, %add3A_63 : i32
      %lt3A = arith.constant 128 : i32
      %lt3A_65 = arith.cmpi slt, %add3A_64, %lt3A : i32
      %convert_element_type3A_66 = arith.extui %lt3A_65 : i1 to i32
      %cond3A_67 = arith.constant 0 : i32
      %cond3A_68 = arith.cmpi ne, %convert_element_type3A_66, %cond3A_67 : i32
      scf.if %cond3A_68 {
        %add3A_96 = arith.constant 2 : i32
        %add3A_97 = arith.addi %mul3A_35, %add3A_96 : i32
        %dma_start3A_98 = arith.constant 0 : i32
        %dma_start3A_99 = tpu.memref_slice %arg5[%add3A_97, %dma_start3A_98] : memref<128x50xi32, #tpu.memory_space<vmem>> -> memref<1x50xi32, #tpu.memory_space<vmem>>
        %dma_start3A_100 = tpu.memref_squeeze %dma_start3A_99 : memref<1x50xi32, #tpu.memory_space<vmem>> -> memref<50xi32, #tpu.memory_space<vmem>>
        %dma_start3A_101 = arith.constant 0 : i32
        %dma_start3A_102 = arith.constant 0 : i32
        %dma_start3A_103 = tpu.memref_slice %arg2[%dma_start3A_101, %dma_start3A_102] : memref<257x304xf32, #tpu.memory_space<hbm>> -> memref<257x304xf32, #tpu.memory_space<hbm>>
        tpu.enqueue_indirect_dma source(%dma_start3A_103 : memref<257x304xf32, #tpu.memory_space<hbm>>) target(%arg6 : memref<50x304xf32, #tpu.memory_space<vmem>>) offsets(%dma_start3A_100 : memref<50xi32, #tpu.memory_space<vmem>>) semaphore(%arg10 : memref<!tpu.dma_semaphore, #tpu.memory_space<semaphore_mem>>)
      } else {
      }
      %add3A_69 = arith.constant 1 : i32
      %add3A_70 = arith.addi %mul3A_35, %add3A_69 : i32
      %dma_wait3A_71 = arith.constant 0 : i32
      %dma_wait3A_72 = tpu.memref_slice %arg5[%add3A_70, %dma_wait3A_71] : memref<128x50xi32, #tpu.memory_space<vmem>> -> memref<1x50xi32, #tpu.memory_space<vmem>>
      %dma_wait3A_73 = tpu.memref_squeeze %dma_wait3A_72 : memref<1x50xi32, #tpu.memory_space<vmem>> -> memref<50xi32, #tpu.memory_space<vmem>>
      %dma_wait3A_74 = arith.constant 0 : i32
      %dma_wait3A_75 = arith.constant 0 : i32
      %dma_wait3A_76 = tpu.memref_slice %arg2[%dma_wait3A_74, %dma_wait3A_75] : memref<257x304xf32, #tpu.memory_space<hbm>> -> memref<257x304xf32, #tpu.memory_space<hbm>>
      tpu.wait_indirect_dma semaphore(%arg11 : memref<!tpu.dma_semaphore, #tpu.memory_space<semaphore_mem>>) src(%dma_wait3A_76 : memref<257x304xf32, #tpu.memory_space<hbm>>) dst(%arg7 : memref<50x304xf32, #tpu.memory_space<vmem>>)
      %ge3A_77 = arith.constant 2 : i32
      %ge3A_78 = arith.cmpi sge, %mul3A_35, %ge3A_77 : i32
      %convert_element_type3A_79 = arith.extui %ge3A_78 : i1 to i32
      %cond3A_80 = arith.constant 0 : i32
      %cond3A_81 = arith.cmpi ne, %convert_element_type3A_79, %cond3A_80 : i32
      scf.if %cond3A_81 {
        %sub3A = arith.constant 1 : i32
        %sub3A_96 = arith.subi %mul3A_35, %sub3A : i32
        %add3A_97 = arith.addi %mul3A_2, %sub3A_96 : i32
        %dma_wait3A_98 = arith.constant 0 : i32
        %dma_wait3A_99 = arith.constant 0 : i32
        %dma_wait3A_100 = tpu.memref_slice %arg4[%add3A_97, %dma_wait3A_98, %dma_wait3A_99] : memref<4096x50x300xf32, #tpu.memory_space<hbm>> -> memref<1x50x300xf32, #tpu.memory_space<hbm>>
        %dma_wait3A_101 = tpu.memref_squeeze %dma_wait3A_100 : memref<1x50x300xf32, #tpu.memory_space<hbm>> -> memref<50x300xf32, #tpu.memory_space<hbm>>
        %dma_wait3A_102 = arith.constant 0 : i32
        %dma_wait3A_103 = arith.constant 0 : i32
        %dma_wait3A_104 = tpu.memref_slice %arg4[%add3A_97, %dma_wait3A_102, %dma_wait3A_103] : memref<4096x50x300xf32, #tpu.memory_space<hbm>> -> memref<1x50x300xf32, #tpu.memory_space<hbm>>
        %dma_wait3A_105 = tpu.memref_squeeze %dma_wait3A_104 : memref<1x50x300xf32, #tpu.memory_space<hbm>> -> memref<50x300xf32, #tpu.memory_space<hbm>>
        tpu.wait_dma2 semaphore(%arg13 : memref<!tpu.dma_semaphore, #tpu.memory_space<semaphore_mem>>) src(%arg9 : memref<50x300xf32, #tpu.memory_space<vmem>>) dst(%dma_wait3A_105 : memref<50x300xf32, #tpu.memory_space<hbm>>)
      } else {
      }
      %parallel_loop3A_82 = arith.constant 0 : i32
      %parallel_loop3A_83 = arith.constant 50 : i32
      %parallel_loop3A_84 = arith.constant 1 : i32
      scf.for %parallel_loop3A_96 = %parallel_loop3A_82 to %parallel_loop3A_83 step %parallel_loop3A_84  : i32 {
        %parallel_loop3A_97 = arith.index_cast %parallel_loop3A_96 : i32 to index
        %parallel_loop3A_98 = arith.constant 0 : index
        %parallel_loop3A_99 = tpu.vector_load %arg7[%parallel_loop3A_97, %parallel_loop3A_98] {strides = array<i32>} : memref<50x304xf32, #tpu.memory_space<vmem>>, vector<1x16xf32>,
        %parallel_loop3A_100 = vector.shape_cast %parallel_loop3A_99 : vector<1x16xf32> to vector<16xf32>
        %parallel_loop3A_101 = arith.index_cast %parallel_loop3A_96 : i32 to index
        %parallel_loop3A_102 = arith.constant 0 : index
        %parallel_loop3A_103 = tpu.vector_load %arg9[%parallel_loop3A_101, %parallel_loop3A_102] {strides = array<i32>} : memref<50x300xf32, #tpu.memory_space<vmem>>, vector<1x16xf32>,
        %parallel_loop3A_104 = vector.shape_cast %parallel_loop3A_103 : vector<1x16xf32> to vector<16xf32>
        %parallel_loop3A_105 = vector.shape_cast %parallel_loop3A_100 : vector<16xf32> to vector<1x16xf32>
        tpu.vector_store %arg9[%parallel_loop3A_101, %parallel_loop3A_102], %parallel_loop3A_105 {strides = array<i32>} : memref<50x300xf32, #tpu.memory_space<vmem>>, vector<1x16xf32>,
        %parallel_loop3A_106 = arith.index_cast %parallel_loop3A_96 : i32 to index
        %parallel_loop3A_107 = arith.constant 16 : index
        %parallel_loop3A_108 = tpu.vector_load %arg7[%parallel_loop3A_106, %parallel_loop3A_107] {strides = array<i32>} : memref<50x304xf32, #tpu.memory_space<vmem>>, vector<1x16xf32>,
        %parallel_loop3A_109 = vector.shape_cast %parallel_loop3A_108 : vector<1x16xf32> to vector<16xf32>
        %parallel_loop3A_110 = arith.index_cast %parallel_loop3A_96 : i32 to index
        %parallel_loop3A_111 = arith.constant 16 : index
        %parallel_loop3A_112 = tpu.vector_load %arg9[%parallel_loop3A_110, %parallel_loop3A_111] {strides = array<i32>} : memref<50x300xf32, #tpu.memory_space<vmem>>, vector<1x16xf32>,
        %parallel_loop3A_113 = vector.shape_cast %parallel_loop3A_112 : vector<1x16xf32> to vector<16xf32>
        %parallel_loop3A_114 = vector.shape_cast %parallel_loop3A_109 : vector<16xf32> to vector<1x16xf32>
        tpu.vector_store %arg9[%parallel_loop3A_110, %parallel_loop3A_111], %parallel_loop3A_114 {strides = array<i32>} : memref<50x300xf32, #tpu.memory_space<vmem>>, vector<1x16xf32>,
        %parallel_loop3A_115 = arith.index_cast %parallel_loop3A_96 : i32 to index
        %parallel_loop3A_116 = arith.constant 32 : index
        %parallel_loop3A_117 = tpu.vector_load %arg7[%parallel_loop3A_115, %parallel_loop3A_116] {strides = array<i32>} : memref<50x304xf32, #tpu.memory_space<vmem>>, vector<1x16xf32>,
        %parallel_loop3A_118 = vector.shape_cast %parallel_loop3A_117 : vector<1x16xf32> to vector<16xf32>
        %parallel_loop3A_119 = arith.index_cast %parallel_loop3A_96 : i32 to index
        %parallel_loop3A_120 = arith.constant 32 : index
        %parallel_loop3A_121 = tpu.vector_load %arg9[%parallel_loop3A_119, %parallel_loop3A_120] {strides = array<i32>} : memref<50x300xf32, #tpu.memory_space<vmem>>, vector<1x16xf32>,
        %parallel_loop3A_122 = vector.shape_cast %parallel_loop3A_121 : vector<1x16xf32> to vector<16xf32>
        %parallel_loop3A_123 = vector.shape_cast %parallel_loop3A_118 : vector<16xf32> to vector<1x16xf32>
        tpu.vector_store %arg9[%parallel_loop3A_119, %parallel_loop3A_120], %parallel_loop3A_123 {strides = array<i32>} : memref<50x300xf32, #tpu.memory_space<vmem>>, vector<1x16xf32>,
        %parallel_loop3A_124 = arith.index_cast %parallel_loop3A_96 : i32 to index
        %parallel_loop3A_125 = arith.constant 48 : index
        %parallel_loop3A_126 = tpu.vector_load %arg7[%parallel_loop3A_124, %parallel_loop3A_125] {strides = array<i32>} : memref<50x304xf32, #tpu.memory_space<vmem>>, vector<1x16xf32>,
        %parallel_loop3A_127 = vector.shape_cast %parallel_loop3A_126 : vector<1x16xf32> to vector<16xf32>
        %parallel_loop3A_128 = arith.index_cast %parallel_loop3A_96 : i32 to index
        %parallel_loop3A_129 = arith.constant 48 : index
        %parallel_loop3A_130 = tpu.vector_load %arg9[%parallel_loop3A_128, %parallel_loop3A_129] {strides = array<i32>} : memref<50x300xf32, #tpu.memory_space<vmem>>, vector<1x16xf32>,
        %parallel_loop3A_131 = vector.shape_cast %parallel_loop3A_130 : vector<1x16xf32> to vector<16xf32>
        %parallel_loop3A_132 = vector.shape_cast %parallel_loop3A_127 : vector<16xf32> to vector<1x16xf32>
        tpu.vector_store %arg9[%parallel_loop3A_128, %parallel_loop3A_129], %parallel_loop3A_132 {strides = array<i32>} : memref<50x300xf32, #tpu.memory_space<vmem>>, vector<1x16xf32>,
        %parallel_loop3A_133 = arith.index_cast %parallel_loop3A_96 : i32 to index
        %parallel_loop3A_134 = arith.constant 64 : index
        %parallel_loop3A_135 = tpu.vector_load %arg7[%parallel_loop3A_133, %parallel_loop3A_134] {strides = array<i32>} : memref<50x304xf32, #tpu.memory_space<vmem>>, vector<1x16xf32>,
        %parallel_loop3A_136 = vector.shape_cast %parallel_loop3A_135 : vector<1x16xf32> to vector<16xf32>
        %parallel_loop3A_137 = arith.index_cast %parallel_loop3A_96 : i32 to index
        %parallel_loop3A_138 = arith.constant 64 : index
        %parallel_loop3A_139 = tpu.vector_load %arg9[%parallel_loop3A_137, %parallel_loop3A_138] {strides = array<i32>} : memref<50x300xf32, #tpu.memory_space<vmem>>, vector<1x16xf32>,
        %parallel_loop3A_140 = vector.shape_cast %parallel_loop3A_139 : vector<1x16xf32> to vector<16xf32>
        %parallel_loop3A_141 = vector.shape_cast %parallel_loop3A_136 : vector<16xf32> to vector<1x16xf32>
        tpu.vector_store %arg9[%parallel_loop3A_137, %parallel_loop3A_138], %parallel_loop3A_141 {strides = array<i32>} : memref<50x300xf32, #tpu.memory_space<vmem>>, vector<1x16xf32>,
        %parallel_loop3A_142 = arith.index_cast %parallel_loop3A_96 : i32 to index
        %parallel_loop3A_143 = arith.constant 80 : index
        %parallel_loop3A_144 = tpu.vector_load %arg7[%parallel_loop3A_142, %parallel_loop3A_143] {strides = array<i32>} : memref<50x304xf32, #tpu.memory_space<vmem>>, vector<1x16xf32>,
        %parallel_loop3A_145 = vector.shape_cast %parallel_loop3A_144 : vector<1x16xf32> to vector<16xf32>
        %parallel_loop3A_146 = arith.index_cast %parallel_loop3A_96 : i32 to index
        %parallel_loop3A_147 = arith.constant 80 : index
        %parallel_loop3A_148 = tpu.vector_load %arg9[%parallel_loop3A_146, %parallel_loop3A_147] {strides = array<i32>} : memref<50x300xf32, #tpu.memory_space<vmem>>, vector<1x16xf32>,
        %parallel_loop3A_149 = vector.shape_cast %parallel_loop3A_148 : vector<1x16xf32> to vector<16xf32>
        %parallel_loop3A_150 = vector.shape_cast %parallel_loop3A_145 : vector<16xf32> to vector<1x16xf32>
        tpu.vector_store %arg9[%parallel_loop3A_146, %parallel_loop3A_147], %parallel_loop3A_150 {strides = array<i32>} : memref<50x300xf32, #tpu.memory_space<vmem>>, vector<1x16xf32>,
        %parallel_loop3A_151 = arith.index_cast %parallel_loop3A_96 : i32 to index
        %parallel_loop3A_152 = arith.constant 96 : index
        %parallel_loop3A_153 = tpu.vector_load %arg7[%parallel_loop3A_151, %parallel_loop3A_152] {strides = array<i32>} : memref<50x304xf32, #tpu.memory_space<vmem>>, vector<1x16xf32>,
        %parallel_loop3A_154 = vector.shape_cast %parallel_loop3A_153 : vector<1x16xf32> to vector<16xf32>
        %parallel_loop3A_155 = arith.index_cast %parallel_loop3A_96 : i32 to index
        %parallel_loop3A_156 = arith.constant 96 : index
        %parallel_loop3A_157 = tpu.vector_load %arg9[%parallel_loop3A_155, %parallel_loop3A_156] {strides = array<i32>} : memref<50x300xf32, #tpu.memory_space<vmem>>, vector<1x16xf32>,
        %parallel_loop3A_158 = vector.shape_cast %parallel_loop3A_157 : vector<1x16xf32> to vector<16xf32>
        %parallel_loop3A_159 = vector.shape_cast %parallel_loop3A_154 : vector<16xf32> to vector<1x16xf32>
        tpu.vector_store %arg9[%parallel_loop3A_155, %parallel_loop3A_156], %parallel_loop3A_159 {strides = array<i32>} : memref<50x300xf32, #tpu.memory_space<vmem>>, vector<1x16xf32>,
        %parallel_loop3A_160 = arith.index_cast %parallel_loop3A_96 : i32 to index
        %parallel_loop3A_161 = arith.constant 112 : index
        %parallel_loop3A_162 = tpu.vector_load %arg7[%parallel_loop3A_160, %parallel_loop3A_161] {strides = array<i32>} : memref<50x304xf32, #tpu.memory_space<vmem>>, vector<1x16xf32>,
        %parallel_loop3A_163 = vector.shape_cast %parallel_loop3A_162 : vector<1x16xf32> to vector<16xf32>
        %parallel_loop3A_164 = arith.index_cast %parallel_loop3A_96 : i32 to index
        %parallel_loop3A_165 = arith.constant 112 : index
        %parallel_loop3A_166 = tpu.vector_load %arg9[%parallel_loop3A_164, %parallel_loop3A_165] {strides = array<i32>} : memref<50x300xf32, #tpu.memory_space<vmem>>, vector<1x16xf32>,
        %parallel_loop3A_167 = vector.shape_cast %parallel_loop3A_166 : vector<1x16xf32> to vector<16xf32>
        %parallel_loop3A_168 = vector.shape_cast %parallel_loop3A_163 : vector<16xf32> to vector<1x16xf32>
        tpu.vector_store %arg9[%parallel_loop3A_164, %parallel_loop3A_165], %parallel_loop3A_168 {strides = array<i32>} : memref<50x300xf32, #tpu.memory_space<vmem>>, vector<1x16xf32>,
        %parallel_loop3A_169 = arith.index_cast %parallel_loop3A_96 : i32 to index
        %parallel_loop3A_170 = arith.constant 128 : index
        %parallel_loop3A_171 = tpu.vector_load %arg7[%parallel_loop3A_169, %parallel_loop3A_170] {strides = array<i32>} : memref<50x304xf32, #tpu.memory_space<vmem>>, vector<1x16xf32>,
        %parallel_loop3A_172 = vector.shape_cast %parallel_loop3A_171 : vector<1x16xf32> to vector<16xf32>
        %parallel_loop3A_173 = arith.index_cast %parallel_loop3A_96 : i32 to index
        %parallel_loop3A_174 = arith.constant 128 : index
        %parallel_loop3A_175 = tpu.vector_load %arg9[%parallel_loop3A_173, %parallel_loop3A_174] {strides = array<i32>} : memref<50x300xf32, #tpu.memory_space<vmem>>, vector<1x16xf32>,
        %parallel_loop3A_176 = vector.shape_cast %parallel_loop3A_175 : vector<1x16xf32> to vector<16xf32>
        %parallel_loop3A_177 = vector.shape_cast %parallel_loop3A_172 : vector<16xf32> to vector<1x16xf32>
        tpu.vector_store %arg9[%parallel_loop3A_173, %parallel_loop3A_174], %parallel_loop3A_177 {strides = array<i32>} : memref<50x300xf32, #tpu.memory_space<vmem>>, vector<1x16xf32>,
        %parallel_loop3A_178 = arith.index_cast %parallel_loop3A_96 : i32 to index
        %parallel_loop3A_179 = arith.constant 144 : index
        %parallel_loop3A_180 = tpu.vector_load %arg7[%parallel_loop3A_178, %parallel_loop3A_179] {strides = array<i32>} : memref<50x304xf32, #tpu.memory_space<vmem>>, vector<1x16xf32>,
        %parallel_loop3A_181 = vector.shape_cast %parallel_loop3A_180 : vector<1x16xf32> to vector<16xf32>
        %parallel_loop3A_182 = arith.index_cast %parallel_loop3A_96 : i32 to index
        %parallel_loop3A_183 = arith.constant 144 : index
        %parallel_loop3A_184 = tpu.vector_load %arg9[%parallel_loop3A_182, %parallel_loop3A_183] {strides = array<i32>} : memref<50x300xf32, #tpu.memory_space<vmem>>, vector<1x16xf32>,
        %parallel_loop3A_185 = vector.shape_cast %parallel_loop3A_184 : vector<1x16xf32> to vector<16xf32>
        %parallel_loop3A_186 = vector.shape_cast %parallel_loop3A_181 : vector<16xf32> to vector<1x16xf32>
        tpu.vector_store %arg9[%parallel_loop3A_182, %parallel_loop3A_183], %parallel_loop3A_186 {strides = array<i32>} : memref<50x300xf32, #tpu.memory_space<vmem>>, vector<1x16xf32>,
        %parallel_loop3A_187 = arith.index_cast %parallel_loop3A_96 : i32 to index
        %parallel_loop3A_188 = arith.constant 160 : index
        %parallel_loop3A_189 = tpu.vector_load %arg7[%parallel_loop3A_187, %parallel_loop3A_188] {strides = array<i32>} : memref<50x304xf32, #tpu.memory_space<vmem>>, vector<1x16xf32>,
        %parallel_loop3A_190 = vector.shape_cast %parallel_loop3A_189 : vector<1x16xf32> to vector<16xf32>
        %parallel_loop3A_191 = arith.index_cast %parallel_loop3A_96 : i32 to index
        %parallel_loop3A_192 = arith.constant 160 : index
        %parallel_loop3A_193 = tpu.vector_load %arg9[%parallel_loop3A_191, %parallel_loop3A_192] {strides = array<i32>} : memref<50x300xf32, #tpu.memory_space<vmem>>, vector<1x16xf32>,
        %parallel_loop3A_194 = vector.shape_cast %parallel_loop3A_193 : vector<1x16xf32> to vector<16xf32>
        %parallel_loop3A_195 = vector.shape_cast %parallel_loop3A_190 : vector<16xf32> to vector<1x16xf32>
        tpu.vector_store %arg9[%parallel_loop3A_191, %parallel_loop3A_192], %parallel_loop3A_195 {strides = array<i32>} : memref<50x300xf32, #tpu.memory_space<vmem>>, vector<1x16xf32>,
        %parallel_loop3A_196 = arith.index_cast %parallel_loop3A_96 : i32 to index
        %parallel_loop3A_197 = arith.constant 176 : index
        %parallel_loop3A_198 = tpu.vector_load %arg7[%parallel_loop3A_196, %parallel_loop3A_197] {strides = array<i32>} : memref<50x304xf32, #tpu.memory_space<vmem>>, vector<1x16xf32>,
        %parallel_loop3A_199 = vector.shape_cast %parallel_loop3A_198 : vector<1x16xf32> to vector<16xf32>
        %parallel_loop3A_200 = arith.index_cast %parallel_loop3A_96 : i32 to index
        %parallel_loop3A_201 = arith.constant 176 : index
        %parallel_loop3A_202 = tpu.vector_load %arg9[%parallel_loop3A_200, %parallel_loop3A_201] {strides = array<i32>} : memref<50x300xf32, #tpu.memory_space<vmem>>, vector<1x16xf32>,
        %parallel_loop3A_203 = vector.shape_cast %parallel_loop3A_202 : vector<1x16xf32> to vector<16xf32>
        %parallel_loop3A_204 = vector.shape_cast %parallel_loop3A_199 : vector<16xf32> to vector<1x16xf32>
        tpu.vector_store %arg9[%parallel_loop3A_200, %parallel_loop3A_201], %parallel_loop3A_204 {strides = array<i32>} : memref<50x300xf32, #tpu.memory_space<vmem>>, vector<1x16xf32>,
        %parallel_loop3A_205 = arith.index_cast %parallel_loop3A_96 : i32 to index
        %parallel_loop3A_206 = arith.constant 192 : index
        %parallel_loop3A_207 = tpu.vector_load %arg7[%parallel_loop3A_205, %parallel_loop3A_206] {strides = array<i32>} : memref<50x304xf32, #tpu.memory_space<vmem>>, vector<1x16xf32>,
        %parallel_loop3A_208 = vector.shape_cast %parallel_loop3A_207 : vector<1x16xf32> to vector<16xf32>
        %parallel_loop3A_209 = arith.index_cast %parallel_loop3A_96 : i32 to index
        %parallel_loop3A_210 = arith.constant 192 : index
        %parallel_loop3A_211 = tpu.vector_load %arg9[%parallel_loop3A_209, %parallel_loop3A_210] {strides = array<i32>} : memref<50x300xf32, #tpu.memory_space<vmem>>, vector<1x16xf32>,
        %parallel_loop3A_212 = vector.shape_cast %parallel_loop3A_211 : vector<1x16xf32> to vector<16xf32>
        %parallel_loop3A_213 = vector.shape_cast %parallel_loop3A_208 : vector<16xf32> to vector<1x16xf32>
        tpu.vector_store %arg9[%parallel_loop3A_209, %parallel_loop3A_210], %parallel_loop3A_213 {strides = array<i32>} : memref<50x300xf32, #tpu.memory_space<vmem>>, vector<1x16xf32>,
        %parallel_loop3A_214 = arith.index_cast %parallel_loop3A_96 : i32 to index
        %parallel_loop3A_215 = arith.constant 208 : index
        %parallel_loop3A_216 = tpu.vector_load %arg7[%parallel_loop3A_214, %parallel_loop3A_215] {strides = array<i32>} : memref<50x304xf32, #tpu.memory_space<vmem>>, vector<1x16xf32>,
        %parallel_loop3A_217 = vector.shape_cast %parallel_loop3A_216 : vector<1x16xf32> to vector<16xf32>
        %parallel_loop3A_218 = arith.index_cast %parallel_loop3A_96 : i32 to index
        %parallel_loop3A_219 = arith.constant 208 : index
        %parallel_loop3A_220 = tpu.vector_load %arg9[%parallel_loop3A_218, %parallel_loop3A_219] {strides = array<i32>} : memref<50x300xf32, #tpu.memory_space<vmem>>, vector<1x16xf32>,
        %parallel_loop3A_221 = vector.shape_cast %parallel_loop3A_220 : vector<1x16xf32> to vector<16xf32>
        %parallel_loop3A_222 = vector.shape_cast %parallel_loop3A_217 : vector<16xf32> to vector<1x16xf32>
        tpu.vector_store %arg9[%parallel_loop3A_218, %parallel_loop3A_219], %parallel_loop3A_222 {strides = array<i32>} : memref<50x300xf32, #tpu.memory_space<vmem>>, vector<1x16xf32>,
        %parallel_loop3A_223 = arith.index_cast %parallel_loop3A_96 : i32 to index
        %parallel_loop3A_224 = arith.constant 224 : index
        %parallel_loop3A_225 = tpu.vector_load %arg7[%parallel_loop3A_223, %parallel_loop3A_224] {strides = array<i32>} : memref<50x304xf32, #tpu.memory_space<vmem>>, vector<1x16xf32>,
        %parallel_loop3A_226 = vector.shape_cast %parallel_loop3A_225 : vector<1x16xf32> to vector<16xf32>
        %parallel_loop3A_227 = arith.index_cast %parallel_loop3A_96 : i32 to index
        %parallel_loop3A_228 = arith.constant 224 : index
        %parallel_loop3A_229 = tpu.vector_load %arg9[%parallel_loop3A_227, %parallel_loop3A_228] {strides = array<i32>} : memref<50x300xf32, #tpu.memory_space<vmem>>, vector<1x16xf32>,
        %parallel_loop3A_230 = vector.shape_cast %parallel_loop3A_229 : vector<1x16xf32> to vector<16xf32>
        %parallel_loop3A_231 = vector.shape_cast %parallel_loop3A_226 : vector<16xf32> to vector<1x16xf32>
        tpu.vector_store %arg9[%parallel_loop3A_227, %parallel_loop3A_228], %parallel_loop3A_231 {strides = array<i32>} : memref<50x300xf32, #tpu.memory_space<vmem>>, vector<1x16xf32>,
        %parallel_loop3A_232 = arith.index_cast %parallel_loop3A_96 : i32 to index
        %parallel_loop3A_233 = arith.constant 240 : index
        %parallel_loop3A_234 = tpu.vector_load %arg7[%parallel_loop3A_232, %parallel_loop3A_233] {strides = array<i32>} : memref<50x304xf32, #tpu.memory_space<vmem>>, vector<1x16xf32>,
        %parallel_loop3A_235 = vector.shape_cast %parallel_loop3A_234 : vector<1x16xf32> to vector<16xf32>
        %parallel_loop3A_236 = arith.index_cast %parallel_loop3A_96 : i32 to index
        %parallel_loop3A_237 = arith.constant 240 : index
        %parallel_loop3A_238 = tpu.vector_load %arg9[%parallel_loop3A_236, %parallel_loop3A_237] {strides = array<i32>} : memref<50x300xf32, #tpu.memory_space<vmem>>, vector<1x16xf32>,
        %parallel_loop3A_239 = vector.shape_cast %parallel_loop3A_238 : vector<1x16xf32> to vector<16xf32>
        %parallel_loop3A_240 = vector.shape_cast %parallel_loop3A_235 : vector<16xf32> to vector<1x16xf32>
        tpu.vector_store %arg9[%parallel_loop3A_236, %parallel_loop3A_237], %parallel_loop3A_240 {strides = array<i32>} : memref<50x300xf32, #tpu.memory_space<vmem>>, vector<1x16xf32>,
        %parallel_loop3A_241 = arith.index_cast %parallel_loop3A_96 : i32 to index
        %parallel_loop3A_242 = arith.constant 256 : index
        %parallel_loop3A_243 = tpu.vector_load %arg7[%parallel_loop3A_241, %parallel_loop3A_242] {strides = array<i32>} : memref<50x304xf32, #tpu.memory_space<vmem>>, vector<1x16xf32>,
        %parallel_loop3A_244 = vector.shape_cast %parallel_loop3A_243 : vector<1x16xf32> to vector<16xf32>
        %parallel_loop3A_245 = arith.index_cast %parallel_loop3A_96 : i32 to index
        %parallel_loop3A_246 = arith.constant 256 : index
        %parallel_loop3A_247 = tpu.vector_load %arg9[%parallel_loop3A_245, %parallel_loop3A_246] {strides = array<i32>} : memref<50x300xf32, #tpu.memory_space<vmem>>, vector<1x16xf32>,
        %parallel_loop3A_248 = vector.shape_cast %parallel_loop3A_247 : vector<1x16xf32> to vector<16xf32>
        %parallel_loop3A_249 = vector.shape_cast %parallel_loop3A_244 : vector<16xf32> to vector<1x16xf32>
        tpu.vector_store %arg9[%parallel_loop3A_245, %parallel_loop3A_246], %parallel_loop3A_249 {strides = array<i32>} : memref<50x300xf32, #tpu.memory_space<vmem>>, vector<1x16xf32>,
        %parallel_loop3A_250 = arith.index_cast %parallel_loop3A_96 : i32 to index
        %parallel_loop3A_251 = arith.constant 272 : index
        %parallel_loop3A_252 = tpu.vector_load %arg7[%parallel_loop3A_250, %parallel_loop3A_251] {strides = array<i32>} : memref<50x304xf32, #tpu.memory_space<vmem>>, vector<1x16xf32>,
        %parallel_loop3A_253 = vector.shape_cast %parallel_loop3A_252 : vector<1x16xf32> to vector<16xf32>
        %parallel_loop3A_254 = arith.index_cast %parallel_loop3A_96 : i32 to index
        %parallel_loop3A_255 = arith.constant 272 : index
        %parallel_loop3A_256 = tpu.vector_load %arg9[%parallel_loop3A_254, %parallel_loop3A_255] {strides = array<i32>} : memref<50x300xf32, #tpu.memory_space<vmem>>, vector<1x16xf32>,
        %parallel_loop3A_257 = vector.shape_cast %parallel_loop3A_256 : vector<1x16xf32> to vector<16xf32>
        %parallel_loop3A_258 = vector.shape_cast %parallel_loop3A_253 : vector<16xf32> to vector<1x16xf32>
        tpu.vector_store %arg9[%parallel_loop3A_254, %parallel_loop3A_255], %parallel_loop3A_258 {strides = array<i32>} : memref<50x300xf32, #tpu.memory_space<vmem>>, vector<1x16xf32>,
        %parallel_loop3A_259 = arith.index_cast %parallel_loop3A_96 : i32 to index
        %parallel_loop3A_260 = arith.constant 284 : index
        %parallel_loop3A_261 = tpu.vector_load %arg7[%parallel_loop3A_259, %parallel_loop3A_260] {strides = array<i32>} : memref<50x304xf32, #tpu.memory_space<vmem>>, vector<1x16xf32>,
        %parallel_loop3A_262 = vector.shape_cast %parallel_loop3A_261 : vector<1x16xf32> to vector<16xf32>
        %parallel_loop3A_263 = arith.index_cast %parallel_loop3A_96 : i32 to index
        %parallel_loop3A_264 = arith.constant 284 : index
        %parallel_loop3A_265 = tpu.vector_load %arg9[%parallel_loop3A_263, %parallel_loop3A_264] {strides = array<i32>} : memref<50x300xf32, #tpu.memory_space<vmem>>, vector<1x16xf32>,
        %parallel_loop3A_266 = vector.shape_cast %parallel_loop3A_265 : vector<1x16xf32> to vector<16xf32>
        %parallel_loop3A_267 = vector.shape_cast %parallel_loop3A_262 : vector<16xf32> to vector<1x16xf32>
        tpu.vector_store %arg9[%parallel_loop3A_263, %parallel_loop3A_264], %parallel_loop3A_267 {strides = array<i32>} : memref<50x300xf32, #tpu.memory_space<vmem>>, vector<1x16xf32>,
      } {sc.loop_unroll_factor = 2 : i64, sc.parallel_access}
      %add3A_85 = arith.constant 1 : i32
      %add3A_86 = arith.addi %mul3A_35, %add3A_85 : i32
      %add3A_87 = arith.addi %mul3A_2, %add3A_86 : i32
      %dma_start3A_88 = arith.constant 0 : i32
      %dma_start3A_89 = arith.constant 0 : i32
      %dma_start3A_90 = tpu.memref_slice %arg4[%add3A_87, %dma_start3A_88, %dma_start3A_89] : memref<4096x50x300xf32, #tpu.memory_space<hbm>> -> memref<1x50x300xf32, #tpu.memory_space<hbm>>
      %dma_start3A_91 = tpu.memref_squeeze %dma_start3A_90 : memref<1x50x300xf32, #tpu.memory_space<hbm>> -> memref<50x300xf32, #tpu.memory_space<hbm>>
      %dma_start3A_92 = arith.constant 0 : i32
      %dma_start3A_93 = arith.constant 0 : i32
      %dma_start3A_94 = tpu.memref_slice %arg4[%add3A_87, %dma_start3A_92, %dma_start3A_93] : memref<4096x50x300xf32, #tpu.memory_space<hbm>> -> memref<1x50x300xf32, #tpu.memory_space<hbm>>
      %dma_start3A_95 = tpu.memref_squeeze %dma_start3A_94 : memref<1x50x300xf32, #tpu.memory_space<hbm>> -> memref<50x300xf32, #tpu.memory_space<hbm>>
      tpu.enqueue_dma source(%arg9 : memref<50x300xf32, #tpu.memory_space<vmem>>) target(%dma_start3A_95 : memref<50x300xf32, #tpu.memory_space<hbm>>) target_semaphore(%arg13 : memref<!tpu.dma_semaphore, #tpu.memory_space<semaphore_mem>>)
    }
    %scan3A_13 = arith.constant 64 : i32
    %add3A_14 = arith.constant 126 : i32
    %add3A_15 = arith.addi %mul3A_2, %add3A_14 : i32
    %dma_wait3A = arith.constant 0 : i32
    %dma_wait3A_16 = arith.constant 0 : i32
    %dma_wait3A_17 = tpu.memref_slice %arg4[%add3A_15, %dma_wait3A, %dma_wait3A_16] : memref<4096x50x300xf32, #tpu.memory_space<hbm>> -> memref<1x50x300xf32, #tpu.memory_space<hbm>>
    %dma_wait3A_18 = tpu.memref_squeeze %dma_wait3A_17 : memref<1x50x300xf32, #tpu.memory_space<hbm>> -> memref<50x300xf32, #tpu.memory_space<hbm>>
    %dma_wait3A_19 = arith.constant 0 : i32
    %dma_wait3A_20 = arith.constant 0 : i32
    %dma_wait3A_21 = tpu.memref_slice %arg4[%add3A_15, %dma_wait3A_19, %dma_wait3A_20] : memref<4096x50x300xf32, #tpu.memory_space<hbm>> -> memref<1x50x300xf32, #tpu.memory_space<hbm>>
    %dma_wait3A_22 = tpu.memref_squeeze %dma_wait3A_21 : memref<1x50x300xf32, #tpu.memory_space<hbm>> -> memref<50x300xf32, #tpu.memory_space<hbm>>
    tpu.wait_dma2 semaphore(%arg12 : memref<!tpu.dma_semaphore, #tpu.memory_space<semaphore_mem>>) src(%arg8 : memref<50x300xf32, #tpu.memory_space<vmem>>) dst(%dma_wait3A_22 : memref<50x300xf32, #tpu.memory_space<hbm>>)
    %add3A_23 = arith.constant 127 : i32
    %add3A_24 = arith.addi %mul3A_2, %add3A_23 : i32
    %dma_wait3A_25 = arith.constant 0 : i32
    %dma_wait3A_26 = arith.constant 0 : i32
    %dma_wait3A_27 = tpu.memref_slice %arg4[%add3A_24, %dma_wait3A_25, %dma_wait3A_26] : memref<4096x50x300xf32, #tpu.memory_space<hbm>> -> memref<1x50x300xf32, #tpu.memory_space<hbm>>
    %dma_wait3A_28 = tpu.memref_squeeze %dma_wait3A_27 : memref<1x50x300xf32, #tpu.memory_space<hbm>> -> memref<50x300xf32, #tpu.memory_space<hbm>>
    %dma_wait3A_29 = arith.constant 0 : i32
    %dma_wait3A_30 = arith.constant 0 : i32
    %dma_wait3A_31 = tpu.memref_slice %arg4[%add3A_24, %dma_wait3A_29, %dma_wait3A_30] : memref<4096x50x300xf32, #tpu.memory_space<hbm>> -> memref<1x50x300xf32, #tpu.memory_space<hbm>>
    %dma_wait3A_32 = tpu.memref_squeeze %dma_wait3A_31 : memref<1x50x300xf32, #tpu.memory_space<hbm>> -> memref<50x300xf32, #tpu.memory_space<hbm>>
    tpu.wait_dma2 semaphore(%arg13 : memref<!tpu.dma_semaphore, #tpu.memory_space<semaphore_mem>>) src(%arg9 : memref<50x300xf32, #tpu.memory_space<vmem>>) dst(%dma_wait3A_32 : memref<50x300xf32, #tpu.memory_space<hbm>>)
    return
  }
}

</mosaic_0001>

<sc_bundles>
// kernel: kernel.3.cloned.1.call-start
scs
__scs_entry_jumppad:
0x0: {  	(pc) =	sbr.rel $0x88, $3  }
0x1: {  	(tag) =	ssettag $0x0;
	lr =	simm.s32 $0x1  }
0x2: {  	[smem:$0x3F9F] =	sst lr;
	_ =	strace $0xD0000000  }
0x3: {  	_ = 	snop  }
0x4: {  	_ = 	snop  }
0x5: {  	_ = 	snop  }
0x6: {  	_ = 	snop  }
0x7: {  	_ = 	snop  }
__scs_overlays_trampoline_lowered:
0x8: {  	[smem:$0x3FAE] =	sst s0  }
0x9: {  	[smem:$0x3FAF] =	sst s1  }
0xa: {  	[smem:$0x3FB0] =	sst s2  }
0xb: {  	[smem:$0x3FB1] =	sst s3  }
0xc: {  	[smem:$0x3FB2] =	sst s4  }
0xd: {  	[smem:$0x3FB3] =	sst s5  }
0xe: {  	[smem:$0x3FB4] =	sst s6  }
0xf: {  	[smem:$0x3FB5] =	sst s7  }
0x10: {  	[smem:$0x3FB6] =	sst s8  }
0x11: {  	[smem:$0x3FB7] =	sst s9;
	s0 =	simm.s32 @!p0 $0x0  }
0x12: {  	s1 =	sld [smem:$0x3F9D];
	s0 =	simm.s32 @p0 $0x1  }
0x13: {  	[smem:$0x3FB8] =	sst s0;
	s0 =	simm.s32 @!p1 $0x0  }
0x14: {  	s2 =	sld [smem:$0x3F9C];
	s0 =	simm.s32 @p1 $0x1  }
0x15: {  	[smem:$0x3FB9] =	sst s0;
	s0 =	simm.s32 @!p2 $0x0  }
0x16: {  	s3 =	sld [smem:$0x3FDB];
	s0 =	simm.s32 @p2 $0x1  }
0x17: {  	s4 =	simm.s32 $0x1BF5;
	[smem:$0x3FBB] =	sst s0  }
0x18: {  	s0 =	sld [smem:$0x3F9E];
	_ =	swait.ge [sflag:s4], $0x0  }
0x19: {  	s7 =	sld [smem:$0x3F9F]  }
0x1a: {  	s8 =	sadd.s32 $0xFFFFE003, lr  }
0x1b: {  	s9 =	sadd.s32 $0xFFFFFEF7, lr;
	s5 =	simm.s32 $0xFFFFFFFF;
	p2 =	slt.u32 s8, $0xFFFFF086  }
0x1c: {  	p1 =	slt.u32 s9, $0xF7A;
	s5 =	simm.s32 @!p2 $0x0  }
0x1d: {  	s5 =	simm.s32 @p1 $0x1;
	p0 =	seq.s32 s7, s2  }
0x1e: {  	s7 =	smul.u32 @!p0 $0xF7A, s2;
	p2 =	seq.s32 @!p0 s5, $0x0  }
0x1f: {  	s9 =	smul.u32 $0xF7A, s1;
	s8 =	simm.s32 @!p0 $0x1BF5;
	p2 =	por !p2, p0  }
0x20: {  	[sflag:s8] =	ssyncset.s32 @!p0 $0xFFFFF086;
	s6 =	sadd.s32 @!p0 s3, s7;
	s7 =	simm.s32 @!p0 $0x108  }
0x21: {  	s3 =	sadd.s32 s3, s9;
	s6 =	sadd.s32 @!p0 $0x88, s6;
	s7 =	simm.s32 @p2 $0x1082  }
0x22: {  	[simem:s7], [sflag:s8] =	dma.local @!p0 [hbm:s6], $0xF7A  }
0x23: {  	s9 =	sor.u32 $0xD0000000, s2;
	s6 =	simm.s32 $0x108;
	_ =	swait.ge @!p0 [sflag:s8], $0x0  }
0x24: {  	s3 =	sadd.s32 $0x88, s3;
	s6 =	simm.s32 @!p1 $0x1082;
	[sflag:s4] =	ssyncset.s32 $0xFFFFF086  }
0x25: {  	[simem:s6], [sflag:s4] =	dma.local [hbm:s3], $0xF7A  }
0x26: {  	[smem:$0x3F9F] =	sst s1;
	(tag) =	ssettag s2;
	_ =	strace s9  }
0x27: {  	s1 =	sld [smem:$0x3FAF]  }
0x28: {  	s2 =	sld [smem:$0x3FB0]  }
0x29: {  	s4 =	sld [smem:$0x3FB2]  }
0x2a: {  	p0 =	seq.s32 s5, $0x0;
	s5 =	sld [smem:$0x3FB3]  }
0x2b: {  	s6 =	sld [smem:$0x3FB4]  }
0x2c: {  	s7 =	sld [smem:$0x3FB5]  }
0x2d: {  	s3 =	simm.s32 $0x108;
	s8 =	sld [smem:$0x3FB6]  }
0x2e: {  	s3 =	simm.s32 @!p0 $0x1082;
	s9 =	sld [smem:$0x3FB7]  }
0x2f: {  	lr =	sadd.s32 s0, s3;
	s0 =	sld [smem:$0x3FAE]  }
0x30: {  	s3 =	sld [smem:$0x3FB1]  }
0x31: {  	[smem:$0x3FBA] =	sst s10  }
0x32: {  	s10 =	sld [smem:$0x3FB8];
	_ =	sdelay $0x3  }
0x33: {  	p0 =	seq.s32 s10, $0x1;
	s10 =	sld [smem:$0x3FBA];
	_ =	sdelay $0x3  }
0x34: {  	[smem:$0x3FBA] =	sst s10  }
0x35: {  	s10 =	sld [smem:$0x3FB9];
	_ =	sdelay $0x3  }
0x36: {  	p1 =	seq.s32 s10, $0x1;
	s10 =	sld [smem:$0x3FBA];
	_ =	sdelay $0x3  }
0x37: {  	[smem:$0x3FBA] =	sst s10  }
0x38: {  	s10 =	sld [smem:$0x3FBB]  }
0x39: {  	_ = 	snop;
	(pc) =	sbr.ind lr, $3  }
0x3a: {  	_ = 	snop  }
0x3b: {  	_ = 	snop  }
0x3c: {  	p2 =	seq.s32 s10, $0x1;
	s10 =	sld [smem:$0x3FBA]  }
0x3d: {  	_ =	shalt  }
0x3e: {  	_ =	shalt  }
0x3f: {  	_ =	shalt  }
0x40: {  	_ =	shalt  }
0x41: {  	_ =	shalt  }
0x42: {  	_ =	shalt  }
0x43: {  	_ =	shalt  }
0x44: {  	_ =	shalt  }
0x45: {  	_ =	shalt  }
0x46: {  	_ =	shalt  }
0x47: {  	_ =	shalt  }
0x48: {  	_ =	shalt  }
0x49: {  	_ =	shalt  }
0x4a: {  	_ =	shalt  }
0x4b: {  	_ =	shalt  }
0x4c: {  	_ =	shalt  }
0x4d: {  	_ =	shalt  }
0x4e: {  	_ =	shalt  }
0x4f: {  	_ =	shalt  }
0x50: {  	_ =	shalt  }
0x51: {  	_ =	shalt  }
0x52: {  	_ =	shalt  }
0x53: {  	_ =	shalt  }
0x54: {  	_ =	shalt  }
0x55: {  	_ =	shalt  }
0x56: {  	_ =	shalt  }
0x57: {  	_ =	shalt  }
0x58: {  	_ =	shalt  }
0x59: {  	_ =	shalt  }
0x5a: {  	_ =	shalt  }
0x5b: {  	_ =	shalt  }
0x5c: {  	_ =	shalt  }
0x5d: {  	_ =	shalt  }
0x5e: {  	_ =	shalt  }
0x5f: {  	_ =	shalt  }
0x60: {  	_ =	shalt  }
0x61: {  	_ =	shalt  }
0x62: {  	_ =	shalt  }
0x63: {  	_ =	shalt  }
0x64: {  	_ =	shalt  }
0x65: {  	_ =	shalt  }
0x66: {  	_ =	shalt  }
0x67: {  	_ =	shalt  }
0x68: {  	_ =	shalt  }
0x69: {  	_ =	shalt  }
0x6a: {  	_ =	shalt  }
0x6b: {  	_ =	shalt  }
0x6c: {  	_ =	shalt  }
0x6d: {  	_ =	shalt  }
0x6e: {  	_ =	shalt  }
0x6f: {  	_ =	shalt  }
0x70: {  	_ =	shalt  }
0x71: {  	_ =	shalt  }
0x72: {  	_ =	shalt  }
0x73: {  	_ =	shalt  }
0x74: {  	_ =	shalt  }
0x75: {  	_ =	shalt  }
0x76: {  	_ =	shalt  }
0x77: {  	_ =	shalt  }
0x78: {  	_ =	shalt  }
0x79: {  	_ =	shalt  }
0x7a: {  	_ =	shalt  }
0x7b: {  	_ =	shalt  }
0x7c: {  	_ =	shalt  }
0x7d: {  	_ =	shalt  }
0x7e: {  	_ =	shalt  }
0x7f: {  	_ =	shalt  }
0x80: {  	_ =	shalt  }
0x81: {  	_ =	shalt  }
0x82: {  	_ =	shalt  }
0x83: {  	_ =	shalt  }
0x84: {  	_ =	shalt  }
0x85: {  	_ =	shalt  }
0x86: {  	_ =	shalt  }
0x87: {  	_ =	shalt  }
.Lfunc_end0:
.L_simem_size_0:
called_computation.1_lowered:
.L_overlay_start_0:
0x88: {  	s2 =	sld [smem:$0x3FD9]  }
0x89: {  	s3 =	sld [smem:$0x3FFE];
	_ =	sdelay $0x1  }
0x8a: {  	s1 =	srdreg.scid  }
0x8b: {  	s0 =	sand.u32 $0x1, s1  }
0x8c: {  	s17 =	sshll.u32 s0, $0xA;
	s2 =	sadd.s32 s3, s2  }
0x8d: {  	s2 =	sadd.s32 s2, s17  }
0x8e: {  	[smem:$0x3FC6] =	sst s2  }
0x8f: {  	_ = 	snop  }
0x90: {  	s2 =	sld [smem:$0x3FD0];
	(tm) =	ssettm $0x1  }
0x91: {  	s18 =	sld [smem:$0x3FFB];
	_ =	sdelay $0x3  }
0x92: {  	_ =	strace s18  }
0x93: {  	s3 =	sld [smem:$0x3FFC];
	_ =	sdelay $0x3  }
0x94: {  	_ =	strace s3  }
0x95: {  	s3 =	sld [smem:$0x3FFD];
	_ =	sdelay $0x3  }
0x96: {  	_ =	strace s3  }
0x97: {  	_ =	strace $0x8FFFFFFF  }
0x98: {  	s19 =	sld [smem:$0x3FDB];
	_ =	sdelay $0x1  }
0x99: {  	s4 =	simm.s32 $_scs_section_size  }
0x9a: {  	s5 =	simm.s32 $_size__tile_overlayer_lowered;
	s6 =	simm.s32 $_tile_overlayer_lowered  }
0x9b: {  	s22 =	simm.s32 $0x1BFF;
	s21 =	sshll.u32 s6, $0x1;
	s3 =	sadd.s32 s4, s19  }
0x9c: {  	s7 =	simm.s32 $0x0;
	s20 =	sshll.u32 s5, $0x1;
	s5 =	sadd.s32 s21, s3  }
0x9d: {  	[timem:s7], [sflag:s22] =	dma.local [hbm:s5], s20  }
0x9e: {  	_ =	swait.ge [sflag:s22], s20  }
0x9f: {  	s4 =	ssub.s32 $0x0, s20;
	[sflag:s22] =	ssyncset.done $0x0  }
0xa0: {  	[sflag:s22] =	ssyncadd.s32 s4;
	_ =	sdelay $0x1  }
0xa1: {  	s23 =	simm.s32 $0x1B8B  }
0xa2: {  	_ =	swait.ge [sflag:s23], $0x1  }
0xa3: {  	[sflag:s23] =	ssyncset.done $0x0  }
0xa4: {  	s25 =	simm.s32 $0x1B8E;
	s24 =	sld [smem:$0x3FFE];
	[sflag:s23] =	ssyncadd.s32 $0xFFFFFFFF  }
0xa5: {  	s26 =	simm.s32 $execute0_lowered;
	[smem:$0x3FD2] =	sst s25  }
0xa6: {  	s5 =	sshll.u32 s26, $0x1;
	_ =	strace $0x80000046;
	[dreg:$0x1] =	wrdreg $0xFFFFFFFF  }
0xa7: {  	s28 =	simm.s32 $_size_execute0_lowered;
	s3 =	sadd.s32 s3, s5;
	[dreg:$0x0] =	wrdreg $0x0  }
0xa8: {  	s5 =	sshll.u32 s28, $0x1;
	[dreg:$0x2] =	wrdreg s3  }
0xa9: {  	[dreg:$0x3] =	wrdreg s5  }
0xaa: {  	[dreg:$0x4] =	wrdreg $0xC0  }
0xab: {  	_ =	task [dreg:s7], $0x5FFFF  }
0xac: {  	[dreg:$0x1] =	wrdreg $0xFFFFFFFF  }
0xad: {  	[dreg:$0x0] =	wrdreg $0x60  }
0xae: {  	[dreg:$0x2] =	wrdreg s24  }
0xaf: {  	[dreg:$0x3] =	wrdreg s2  }
0xb0: {  	[dreg:$0x4] =	wrdreg $0x9  }
0xb1: {  	_ =	task.clear_ibuf [dreg:s7], $0x5FFFF;
	_ =	strace $0x90000046  }
0xb2: {  	s29 =	simm.s32 $0x9;
	_ =	strace $0x80000048  }
0xb3: {  	_ =	swait.ge [sflag:s29], $0x1  }
0xb4: {  	[sflag:s29] =	ssyncadd.s32 $0xFFFFFFFF  }
0xb5: {  	_ =	strace $0x90000048  }
0xb6: {  	_ =	sfence  }
0xb7: {  	s30 =	sld [smem:$0x0];
	_ =	sdelay $0x2  }
0xb8: {  	s31 =	sshll.u32 s1, $0xD;
	s1 =	sshrl.u32 s1, $0x2  }
0xb9: {  	s3 =	sand.u32 $0x4000, s31;
	s1 =	sadd.s32 s1, s30  }
0xba: {  	s0 =	sor.u32 s3, s0;
	s1 =	sshll.u32 s1, $0x11  }
0xbb: {  	s0 =	sor.u32 s1, s0  }
0xbc: {  	s0 =	sadd.s32 $0x8F2B, s0  }
0xbd: {  	[sflag:s0] =	ssyncadd.remote.s32 $0x1  }
0xbe: {  	_ =	sfence.sel $0xFFFF  }
0xbf: {  	[dreg:$0x0] =	wrdreg $0xFFFFFFFF;
	(pc) =	sbr.abs _section_cstart, $3  }
0xc0: {  	[dreg:$0x1] =	wrdreg $0xFFFFFFFF  }
0xc1: {  	_ =	task.clear_ibuf [dreg:s7], $0x2FFFF;
	_ =	strace $0x9FFFFFFF  }
0xc2: {  	(tm) =	ssettm $0x7FFFFFFF  }
0xc3: {  	_ =	shalt  }
tec
execute0_lowered:
.L_overlay_start_1:
0x0: {  	(tag) =	ssettag $0x1  }
0x1: {  	s5 =	rddreg [dreg:$0x0];
	s1 =	srdreg.scid  }
0x2: {  	s0 =	stileid.u32;
	s2 =	rddreg [dreg:$0x1]  }
0x3: {  	s3 =	simm.s32 $0x0;
	s9 =	simm.s32 $0x32;
	s10 =	simm.s32 $0x1C00  }
0x4: {  	s11 =	simm.s32 $0x5760;
	s12 =	simm.s32 $0x1;
	s13 =	simm.s32 $0x92C0  }
0x5: {  	s14 =	simm.s32 $0x2;
	s15 =	simm.s32 $0x4;
	s16 =	simm.s32 $0xCE20  }
0x6: {  	s17 =	simm.s32 $0x3;
	s4 =	sand.u32 $0x1, s1;
	s6 =	sshll.u32 s0, $0x1  }
0x7: {  	s18 =	simm.s32 $0x0;
	s1 =	rddreg [dreg:$0x2];
	s6 =	sor.u32 s4, s6  }
0x8: {  	[smem:$0x7FF] =	sst s3;
	s8 =	ssub.s32 $0x2, s4;
	s7 =	smul.u32 $0x380, s6  }
0x9: {  	_ =	strace $0x80000047;
	s4 =	sadd.s32 $0x800, s5;
	s31 =	sshrl.u32 s8, $0x1  }
0xa: {  	s8 =	ssub.s32 s8, s31;
	s7 =	sadd.s32 s7, s5;
	s5 =	sshll.u32 s6, $0x7  }
0xb: {  	s6 =	sadd.s32 $0x3000, s7;
	s7 =	smax.u32 s8, $0x1;
	s8 =	simm.s32 $0x5  }
.LBB2_1:
0xc: {  	[tilespmem:s3], [sflag:$0x5] =	stream.linear.gather [hbm4b:s6+s3], $0x1C00, $0x38;
	[tilespmem:$0x10980] =	vst v63  }
0xd: {  	_ =	swait.ge [sflag:s8], $0x1C00  }
0xe: {  	[sflag:s8] =	ssyncset.done $0x0  }
0xf: {  	s19 =	simm.s32 $0x0;
	[sflag:s8] =	ssyncadd.s32 $0xFFFFE400  }
0x10: {  	[tilespmem:s10], [sflag:$0x1] =	stream.indirect.gather [hbm4b:s4+s9], $0x130, s3, s9, $0xb8;
	[tilespmem:$0x10980] =	vst v63  }
.LBB2_2:
0x11: {  	s20 =	sshllo.u32 s19, $0x1  }
0x12: {  	s21 =	smul.u32 $0xE0, s20;
	_ =	sdelay $0x1  }
0x13: {  	s21 =	sshra.s32 s21, $0x2  }
0x14: {  	[tilespmem:s11], [sflag:$0x2] =	stream.indirect.gather [hbm4b:s4+s9], $0x130, s21, s9, $0xb8;
	[tilespmem:$0x10980] =	vst v63  }
0x15: {  	_ =	swait.ge [sflag:s12], $0x3B60  }
0x16: {  	p0 =	seq.s32 s19, $0x0;
	[sflag:s12] =	ssyncset.done $0x0  }
0x17: {  	s21 =	simm.s32 @!p0 $0x3;
	[sflag:s12] =	ssyncadd.s32 $0xFFFFC4A0  }
0x18: {  	_ =	swait.ge @!p0 [sflag:s21], $0x3B60  }
0x19: {  	[sflag:s21] =	ssyncset.done @!p0 $0x0  }
0x1a: {  	s26 =	simm.s32 $0x1D30;
	[sflag:s21] =	ssyncadd.s32 @!p0 $0xFFFFC4A0  }
0x1b: {  	v0 =	vld [tilespmem:s26+$0x0]  }
0x1c: {  	v1 =	vld [tilespmem:s26+$0xFFFFFED0];
	_ =	sdelay $0x2  }
0x1d: {  	s21 =	simm.s32 $0x93F0  }
0x1e: {  	[tilespmem:s21+$0x0] =	vst v0  }
0x1f: {  	[tilespmem:s21+$0xFFFFFED0] =	vst v1;
	v0 =	vld [tilespmem:s26+$0x10]  }
0x20: {  	v1 =	vld [tilespmem:s26+$0xFFFFFEE0];
	_ =	sdelay $0x3  }
0x21: {  	[tilespmem:s21+$0x10] =	vst v0  }
0x22: {  	[tilespmem:s21+$0xFFFFFEE0] =	vst v1;
	v0 =	vld [tilespmem:s26+$0x20]  }
0x23: {  	v1 =	vld [tilespmem:s26+$0xFFFFFEF0];
	_ =	sdelay $0x3  }
0x24: {  	[tilespmem:s21+$0x20] =	vst v0  }
0x25: {  	[tilespmem:s21+$0xFFFFFEF0] =	vst v1;
	v0 =	vld [tilespmem:s26+$0x30]  }
0x26: {  	v1 =	vld [tilespmem:s26+$0xFFFFFF00];
	_ =	sdelay $0x3  }
0x27: {  	[tilespmem:s21+$0x30] =	vst v0  }
0x28: {  	[tilespmem:s21+$0xFFFFFF00] =	vst v1;
	v0 =	vld [tilespmem:s26+$0x40]  }
0x29: {  	v1 =	vld [tilespmem:s26+$0xFFFFFF10];
	_ =	sdelay $0x3  }
0x2a: {  	[tilespmem:s21+$0x40] =	vst v0  }
0x2b: {  	[tilespmem:s21+$0xFFFFFF10] =	vst v1;
	v0 =	vld [tilespmem:s26+$0x50]  }
0x2c: {  	v1 =	vld [tilespmem:s26+$0xFFFFFF20];
	_ =	sdelay $0x3  }
0x2d: {  	[tilespmem:s21+$0x50] =	vst v0  }
0x2e: {  	[tilespmem:s21+$0xFFFFFF20] =	vst v1;
	v0 =	vld [tilespmem:s26+$0x60]  }
0x2f: {  	s23 =	simm.s32 $0x1F90;
	v1 =	vld [tilespmem:s26+$0xFFFFFF30]  }
0x30: {  	v2 =	vld [tilespmem:s23+$0x0]  }
0x31: {  	v3 =	vld [tilespmem:s23+$0xFFFFFED0];
	_ =	sdelay $0x1  }
0x32: {  	[tilespmem:s21+$0x60] =	vst v0  }
0x33: {  	s22 =	simm.s32 $0x9650;
	[tilespmem:s21+$0xFFFFFF30] =	vst v1;
	v0 =	vld [tilespmem:s26+$0x70]  }
0x34: {  	[tilespmem:s22+$0x0] =	vst v2;
	v1 =	vld [tilespmem:s26+$0xFFFFFF40]  }
0x35: {  	[tilespmem:s22+$0xFFFFFED0] =	vst v3;
	v2 =	vld [tilespmem:s23+$0x10]  }
0x36: {  	v3 =	vld [tilespmem:s23+$0xFFFFFEE0];
	_ =	sdelay $0x1  }
0x37: {  	[tilespmem:s21+$0x70] =	vst v0  }
0x38: {  	[tilespmem:s21+$0xFFFFFF40] =	vst v1;
	v0 =	vld [tilespmem:s26+$0x80]  }
0x39: {  	[tilespmem:s22+$0x10] =	vst v2;
	v1 =	vld [tilespmem:s26+$0xFFFFFF50]  }
0x3a: {  	[tilespmem:s22+$0xFFFFFEE0] =	vst v3;
	v2 =	vld [tilespmem:s23+$0x20]  }
0x3b: {  	v3 =	vld [tilespmem:s23+$0xFFFFFEF0];
	_ =	sdelay $0x1  }
0x3c: {  	[tilespmem:s21+$0x80] =	vst v0  }
0x3d: {  	[tilespmem:s21+$0xFFFFFF50] =	vst v1;
	v0 =	vld [tilespmem:s26+$0x90]  }
0x3e: {  	[tilespmem:s22+$0x20] =	vst v2;
	v1 =	vld [tilespmem:s26+$0xFFFFFF60]  }
0x3f: {  	[tilespmem:s22+$0xFFFFFEF0] =	vst v3;
	v2 =	vld [tilespmem:s23+$0x30]  }
0x40: {  	v3 =	vld [tilespmem:s23+$0xFFFFFF00];
	_ =	sdelay $0x1  }
0x41: {  	[tilespmem:s21+$0x90] =	vst v0  }
0x42: {  	[tilespmem:s21+$0xFFFFFF60] =	vst v1;
	v0 =	vld [tilespmem:s26+$0xA0]  }
0x43: {  	[tilespmem:s22+$0x30] =	vst v2;
	v1 =	vld [tilespmem:s26+$0xFFFFFF70]  }
0x44: {  	[tilespmem:s22+$0xFFFFFF00] =	vst v3;
	v2 =	vld [tilespmem:s23+$0x40]  }
0x45: {  	v3 =	vld [tilespmem:s23+$0xFFFFFF10];
	_ =	sdelay $0x1  }
0x46: {  	[tilespmem:s21+$0xA0] =	vst v0  }
0x47: {  	[tilespmem:s21+$0xFFFFFF70] =	vst v1;
	v0 =	vld [tilespmem:s26+$0xB0]  }
0x48: {  	[tilespmem:s22+$0x40] =	vst v2;
	v1 =	vld [tilespmem:s26+$0xFFFFFF80]  }
0x49: {  	[tilespmem:s22+$0xFFFFFF10] =	vst v3;
	v2 =	vld [tilespmem:s23+$0x50]  }
0x4a: {  	v3 =	vld [tilespmem:s23+$0xFFFFFF20];
	_ =	sdelay $0x1  }
0x4b: {  	[tilespmem:s21+$0xB0] =	vst v0  }
0x4c: {  	[tilespmem:s21+$0xFFFFFF80] =	vst v1;
	v0 =	vld [tilespmem:s26+$0xC0]  }
0x4d: {  	[tilespmem:s22+$0x50] =	vst v2;
	v1 =	vld [tilespmem:s26+$0xFFFFFF90]  }
0x4e: {  	[tilespmem:s22+$0xFFFFFF20] =	vst v3;
	v2 =	vld [tilespmem:s23+$0x60]  }
0x4f: {  	s24 =	simm.s32 $0x21F0;
	v3 =	vld [tilespmem:s23+$0xFFFFFF30]  }
0x50: {  	v4 =	vld [tilespmem:s24+$0x0]  }
0x51: {  	v5 =	vld [tilespmem:s24+$0xFFFFFED0];
	[tilespmem:s21+$0xC0] =	vst v0  }
0x52: {  	[tilespmem:s21+$0xFFFFFF90] =	vst v1;
	v0 =	vld [tilespmem:s26+$0xD0]  }
0x53: {  	[tilespmem:s22+$0x60] =	vst v2;
	v1 =	vld [tilespmem:s26+$0xFFFFFFA0]  }
0x54: {  	s25 =	simm.s32 $0x98B0;
	[tilespmem:s22+$0xFFFFFF30] =	vst v3;
	v2 =	vld [tilespmem:s23+$0x70]  }
0x55: {  	[tilespmem:s25+$0x0] =	vst v4;
	v3 =	vld [tilespmem:s23+$0xFFFFFF40]  }
0x56: {  	[tilespmem:s25+$0xFFFFFED0] =	vst v5;
	v4 =	vld [tilespmem:s24+$0x10]  }
0x57: {  	v5 =	vld [tilespmem:s24+$0xFFFFFEE0];
	[tilespmem:s21+$0xD0] =	vst v0  }
0x58: {  	[tilespmem:s21+$0xFFFFFFA0] =	vst v1;
	v0 =	vld [tilespmem:s26+$0xE0]  }
0x59: {  	[tilespmem:s22+$0x70] =	vst v2;
	v1 =	vld [tilespmem:s26+$0xFFFFFFB0]  }
0x5a: {  	[tilespmem:s22+$0xFFFFFF40] =	vst v3;
	v2 =	vld [tilespmem:s23+$0x80]  }
0x5b: {  	[tilespmem:s25+$0x10] =	vst v4;
	v3 =	vld [tilespmem:s23+$0xFFFFFF50]  }
0x5c: {  	[tilespmem:s25+$0xFFFFFEE0] =	vst v5;
	v4 =	vld [tilespmem:s24+$0x20]  }
0x5d: {  	v5 =	vld [tilespmem:s24+$0xFFFFFEF0];
	[tilespmem:s21+$0xE0] =	vst v0  }
0x5e: {  	[tilespmem:s21+$0xFFFFFFB0] =	vst v1;
	v0 =	vld [tilespmem:s26+$0xF0]  }
0x5f: {  	[tilespmem:s22+$0x80] =	vst v2;
	v1 =	vld [tilespmem:s26+$0xFFFFFFC0]  }
0x60: {  	[tilespmem:s22+$0xFFFFFF50] =	vst v3;
	v2 =	vld [tilespmem:s23+$0x90]  }
0x61: {  	[tilespmem:s25+$0x20] =	vst v4;
	v3 =	vld [tilespmem:s23+$0xFFFFFF60]  }
0x62: {  	[tilespmem:s25+$0xFFFFFEF0] =	vst v5;
	v4 =	vld [tilespmem:s24+$0x30]  }
0x63: {  	v5 =	vld [tilespmem:s24+$0xFFFFFF00];
	[tilespmem:s21+$0xF0] =	vst v0  }
0x64: {  	[tilespmem:s21+$0xFFFFFFC0] =	vst v1;
	v0 =	vld [tilespmem:s26+$0x100]  }
0x65: {  	[tilespmem:s22+$0x90] =	vst v2;
	v1 =	vld [tilespmem:s26+$0xFFFFFFD0]  }
0x66: {  	[tilespmem:s22+$0xFFFFFF60] =	vst v3;
	v2 =	vld [tilespmem:s23+$0xA0]  }
0x67: {  	[tilespmem:s25+$0x30] =	vst v4;
	v3 =	vld [tilespmem:s23+$0xFFFFFF70]  }
0x68: {  	[tilespmem:s25+$0xFFFFFF00] =	vst v5;
	v4 =	vld [tilespmem:s24+$0x40]  }
0x69: {  	v5 =	vld [tilespmem:s24+$0xFFFFFF10];
	[tilespmem:s21+$0x100] =	vst v0  }
0x6a: {  	[tilespmem:s21+$0xFFFFFFD0] =	vst v1;
	v0 =	vld [tilespmem:s26+$0x110]  }
0x6b: {  	[tilespmem:s22+$0xA0] =	vst v2;
	v1 =	vld [tilespmem:s26+$0xFFFFFFE0]  }
0x6c: {  	[tilespmem:s22+$0xFFFFFF70] =	vst v3;
	v2 =	vld [tilespmem:s23+$0xB0]  }
0x6d: {  	[tilespmem:s25+$0x40] =	vst v4;
	v3 =	vld [tilespmem:s23+$0xFFFFFF80]  }
0x6e: {  	[tilespmem:s25+$0xFFFFFF10] =	vst v5;
	v4 =	vld [tilespmem:s24+$0x50]  }
0x6f: {  	v5 =	vld [tilespmem:s24+$0xFFFFFF20];
	[tilespmem:s21+$0x110] =	vst v0  }
0x70: {  	[tilespmem:s21+$0xFFFFFFE0] =	vst v1;
	v6 =	vld [tilespmem:s26+$0x11C]  }
0x71: {  	[tilespmem:s22+$0xB0] =	vst v2;
	v0 =	vld [tilespmem:s26+$0xFFFFFFEC]  }
0x72: {  	[tilespmem:s22+$0xFFFFFF80] =	vst v3;
	v1 =	vld [tilespmem:s23+$0xC0]  }
0x73: {  	[tilespmem:s25+$0x50] =	vst v4;
	v2 =	vld [tilespmem:s23+$0xFFFFFF90]  }
0x74: {  	[tilespmem:s25+$0xFFFFFF20] =	vst v5;
	v3 =	vld [tilespmem:s24+$0x60]  }
0x75: {  	s28 =	simm.s32 $0x4;
	s29 =	simm.s32 $0x2450;
	v4 =	vld [tilespmem:s24+$0xFFFFFF30];
	s26 =	sshll.u32 s19, $0x1;
	[tilespmem:s21+$0x11C] =	vst v6  }
.LBB2_3:
0x76: {  	v5 =	vld [tilespmem:s29+$0x0];
	s28 =	sadd.s32 $0x2, s28;
	[tilespmem:s21+$0xFFFFFFEC] =	vst v0;
	s21 =	smov.u32 s22;
	s22 =	smov.u32 s25  }
0x77: {  	v0 =	vld [tilespmem:s29+$0xFFFFFED0];
	p1 =	slt.u32 s28, $0x30;
	[tilespmem:s21+$0xC0] =	vst v1  }
0x78: {  	[tilespmem:s21+$0xFFFFFF90] =	vst v2;
	v1 =	vld [tilespmem:s23+$0xD0]  }
0x79: {  	[tilespmem:s25+$0x60] =	vst v3;
	v2 =	vld [tilespmem:s23+$0xFFFFFFA0]  }
0x7a: {  	s25 =	sadd.s32 $0x260, s25;
	[tilespmem:s22+$0xFFFFFF30] =	vst v4;
	v3 =	vld [tilespmem:s24+$0x70]  }
0x7b: {  	[tilespmem:s25+$0x0] =	vst v5;
	v4 =	vld [tilespmem:s24+$0xFFFFFF40]  }
0x7c: {  	[tilespmem:s25+$0xFFFFFED0] =	vst v0;
	v0 =	vld [tilespmem:s29+$0x10]  }
0x7d: {  	v5 =	vld [tilespmem:s29+$0xFFFFFEE0];
	[tilespmem:s21+$0xD0] =	vst v1  }
0x7e: {  	[tilespmem:s21+$0xFFFFFFA0] =	vst v2;
	v1 =	vld [tilespmem:s23+$0xE0]  }
0x7f: {  	[tilespmem:s22+$0x70] =	vst v3;
	v2 =	vld [tilespmem:s23+$0xFFFFFFB0]  }
0x80: {  	[tilespmem:s22+$0xFFFFFF40] =	vst v4;
	v3 =	vld [tilespmem:s24+$0x80]  }
0x81: {  	[tilespmem:s25+$0x10] =	vst v0;
	v0 =	vld [tilespmem:s24+$0xFFFFFF50]  }
0x82: {  	[tilespmem:s25+$0xFFFFFEE0] =	vst v5;
	v4 =	vld [tilespmem:s29+$0x20]  }
0x83: {  	v5 =	vld [tilespmem:s29+$0xFFFFFEF0];
	[tilespmem:s21+$0xE0] =	vst v1  }
0x84: {  	[tilespmem:s21+$0xFFFFFFB0] =	vst v2;
	v1 =	vld [tilespmem:s23+$0xF0]  }
0x85: {  	[tilespmem:s22+$0x80] =	vst v3;
	v2 =	vld [tilespmem:s23+$0xFFFFFFC0]  }
0x86: {  	[tilespmem:s22+$0xFFFFFF50] =	vst v0;
	v0 =	vld [tilespmem:s24+$0x90]  }
0x87: {  	[tilespmem:s25+$0x20] =	vst v4;
	v3 =	vld [tilespmem:s24+$0xFFFFFF60]  }
0x88: {  	[tilespmem:s25+$0xFFFFFEF0] =	vst v5;
	v4 =	vld [tilespmem:s29+$0x30]  }
0x89: {  	v5 =	vld [tilespmem:s29+$0xFFFFFF00];
	[tilespmem:s21+$0xF0] =	vst v1  }
0x8a: {  	[tilespmem:s21+$0xFFFFFFC0] =	vst v2;
	v1 =	vld [tilespmem:s23+$0x100]  }
0x8b: {  	[tilespmem:s22+$0x90] =	vst v0;
	v0 =	vld [tilespmem:s23+$0xFFFFFFD0]  }
0x8c: {  	[tilespmem:s22+$0xFFFFFF60] =	vst v3;
	v2 =	vld [tilespmem:s24+$0xA0]  }
0x8d: {  	[tilespmem:s25+$0x30] =	vst v4;
	v3 =	vld [tilespmem:s24+$0xFFFFFF70]  }
0x8e: {  	[tilespmem:s25+$0xFFFFFF00] =	vst v5;
	v4 =	vld [tilespmem:s29+$0x40]  }
0x8f: {  	v5 =	vld [tilespmem:s29+$0xFFFFFF10];
	[tilespmem:s21+$0x100] =	vst v1  }
0x90: {  	[tilespmem:s21+$0xFFFFFFD0] =	vst v0;
	v0 =	vld [tilespmem:s23+$0x110]  }
0x91: {  	[tilespmem:s22+$0xA0] =	vst v2;
	v1 =	vld [tilespmem:s23+$0xFFFFFFE0]  }
0x92: {  	[tilespmem:s22+$0xFFFFFF70] =	vst v3;
	v2 =	vld [tilespmem:s24+$0xB0]  }
0x93: {  	[tilespmem:s25+$0x40] =	vst v4;
	v3 =	vld [tilespmem:s24+$0xFFFFFF80]  }
0x94: {  	[tilespmem:s25+$0xFFFFFF10] =	vst v5;
	v4 =	vld [tilespmem:s29+$0x50]  }
0x95: {  	v5 =	vld [tilespmem:s29+$0xFFFFFF20];
	[tilespmem:s21+$0x110] =	vst v0  }
0x96: {  	[tilespmem:s21+$0xFFFFFFE0] =	vst v1;
	v6 =	vld [tilespmem:s23+$0x11C]  }
.Ltmp0:
0x97: {  	[tilespmem:s22+$0xB0] =	vst v2;
	v0 =	vld [tilespmem:s23+$0xFFFFFFEC];
	s23 =	smov.u32 s24;
	s24 =	smov.u32 s29;
	(pc) =	sbr.rel @p1 .LBB2_3-.Ltmp0, $4  }
0x98: {  	[tilespmem:s22+$0xFFFFFF80] =	vst v3;
	v1 =	vld [tilespmem:s23+$0xC0]  }
0x99: {  	[tilespmem:s25+$0x50] =	vst v4;
	v2 =	vld [tilespmem:s23+$0xFFFFFF90]  }
0x9a: {  	[tilespmem:s25+$0xFFFFFF20] =	vst v5;
	v3 =	vld [tilespmem:s29+$0x60]  }
0x9b: {  	s29 =	sadd.s32 $0x260, s29;
	v4 =	vld [tilespmem:s24+$0xFFFFFF30];
	[tilespmem:s21+$0x11C] =	vst v6  }
0x9c: {  	_ =	sdelay $0x2  }
0x9d: {  	[tilespmem:s25+$0x60] =	vst v3  }
0x9e: {  	[tilespmem:s25+$0xFFFFFF30] =	vst v4;
	v3 =	vld [tilespmem:s24+$0x70]  }
0x9f: {  	v4 =	vld [tilespmem:s24+$0xFFFFFF40];
	_ =	sdelay $0x3  }
0xa0: {  	[tilespmem:s25+$0x70] =	vst v3  }
0xa1: {  	[tilespmem:s25+$0xFFFFFF40] =	vst v4;
	v3 =	vld [tilespmem:s24+$0x80]  }
0xa2: {  	v4 =	vld [tilespmem:s24+$0xFFFFFF50];
	_ =	sdelay $0x3  }
0xa3: {  	[tilespmem:s25+$0x80] =	vst v3  }
0xa4: {  	[tilespmem:s25+$0xFFFFFF50] =	vst v4;
	v3 =	vld [tilespmem:s24+$0x90]  }
0xa5: {  	v4 =	vld [tilespmem:s24+$0xFFFFFF60];
	_ =	sdelay $0x3  }
0xa6: {  	[tilespmem:s25+$0x90] =	vst v3  }
0xa7: {  	[tilespmem:s25+$0xFFFFFF60] =	vst v4;
	v3 =	vld [tilespmem:s24+$0xA0]  }
0xa8: {  	v4 =	vld [tilespmem:s24+$0xFFFFFF70];
	_ =	sdelay $0x3  }
0xa9: {  	[tilespmem:s25+$0xA0] =	vst v3  }
0xaa: {  	[tilespmem:s25+$0xFFFFFF70] =	vst v4;
	v3 =	vld [tilespmem:s24+$0xB0]  }
0xab: {  	v4 =	vld [tilespmem:s24+$0xFFFFFF80];
	_ =	sdelay $0x3  }
0xac: {  	[tilespmem:s25+$0xB0] =	vst v3  }
0xad: {  	[tilespmem:s25+$0xFFFFFF80] =	vst v4;
	v3 =	vld [tilespmem:s24+$0xC0]  }
0xae: {  	v4 =	vld [tilespmem:s24+$0xFFFFFF90];
	_ =	sdelay $0x1  }
0xaf: {  	[tilespmem:s22+$0xC0] =	vst v1  }
0xb0: {  	[tilespmem:s22+$0xFFFFFF90] =	vst v2;
	v1 =	vld [tilespmem:s23+$0xD0]  }
0xb1: {  	v2 =	vld [tilespmem:s23+$0xFFFFFFA0];
	[tilespmem:s25+$0xC0] =	vst v3  }
0xb2: {  	[tilespmem:s25+$0xFFFFFF90] =	vst v4;
	v3 =	vld [tilespmem:s24+$0xD0]  }
0xb3: {  	v4 =	vld [tilespmem:s24+$0xFFFFFFA0];
	_ =	sdelay $0x1  }
0xb4: {  	[tilespmem:s22+$0xD0] =	vst v1  }
0xb5: {  	[tilespmem:s22+$0xFFFFFFA0] =	vst v2;
	v1 =	vld [tilespmem:s23+$0xE0]  }
0xb6: {  	v2 =	vld [tilespmem:s23+$0xFFFFFFB0];
	[tilespmem:s25+$0xD0] =	vst v3  }
0xb7: {  	[tilespmem:s25+$0xFFFFFFA0] =	vst v4;
	v3 =	vld [tilespmem:s24+$0xE0]  }
0xb8: {  	v4 =	vld [tilespmem:s24+$0xFFFFFFB0];
	_ =	sdelay $0x1  }
0xb9: {  	[tilespmem:s22+$0xE0] =	vst v1  }
0xba: {  	[tilespmem:s22+$0xFFFFFFB0] =	vst v2;
	v1 =	vld [tilespmem:s23+$0xF0]  }
0xbb: {  	v2 =	vld [tilespmem:s23+$0xFFFFFFC0];
	[tilespmem:s25+$0xE0] =	vst v3  }
0xbc: {  	[tilespmem:s25+$0xFFFFFFB0] =	vst v4;
	v3 =	vld [tilespmem:s24+$0xF0]  }
0xbd: {  	v4 =	vld [tilespmem:s24+$0xFFFFFFC0];
	_ =	sdelay $0x1  }
0xbe: {  	[tilespmem:s22+$0xF0] =	vst v1  }
0xbf: {  	[tilespmem:s22+$0xFFFFFFC0] =	vst v2;
	v1 =	vld [tilespmem:s23+$0x100]  }
0xc0: {  	v2 =	vld [tilespmem:s23+$0xFFFFFFD0];
	[tilespmem:s25+$0xF0] =	vst v3  }
0xc1: {  	[tilespmem:s25+$0xFFFFFFC0] =	vst v4;
	v3 =	vld [tilespmem:s24+$0x100]  }
0xc2: {  	v4 =	vld [tilespmem:s24+$0xFFFFFFD0];
	_ =	sdelay $0x1  }
0xc3: {  	[tilespmem:s22+$0x100] =	vst v1  }
0xc4: {  	[tilespmem:s22+$0xFFFFFFD0] =	vst v2;
	v1 =	vld [tilespmem:s23+$0x110]  }
0xc5: {  	v2 =	vld [tilespmem:s23+$0xFFFFFFE0];
	[tilespmem:s25+$0x100] =	vst v3  }
0xc6: {  	[tilespmem:s25+$0xFFFFFFD0] =	vst v4;
	v3 =	vld [tilespmem:s24+$0x110]  }
0xc7: {  	v4 =	vld [tilespmem:s24+$0xFFFFFFE0];
	_ =	sdelay $0x1  }
0xc8: {  	[tilespmem:s22+$0x110] =	vst v1  }
0xc9: {  	[tilespmem:s22+$0xFFFFFFE0] =	vst v2;
	v1 =	vld [tilespmem:s23+$0x11C]  }
0xca: {  	v2 =	vld [tilespmem:s23+$0xFFFFFFEC];
	[tilespmem:s25+$0x110] =	vst v3  }
0xcb: {  	[tilespmem:s25+$0xFFFFFFE0] =	vst v4;
	v3 =	vld [tilespmem:s24+$0x11C]  }
0xcc: {  	v4 =	vld [tilespmem:s24+$0xFFFFFFEC]  }
0xcd: {  	[tilespmem:s21+$0xFFFFFFEC] =	vst v0;
	p1 =	sne.s32 s19, $0x3F  }
.Ltmp1:
0xce: {  	s31 =	sadd.s32 s5, s26;
	[tilespmem:s22+$0x11C] =	vst v1;
	(pc) =	sbr.rel @p1 .LBB2_6-.Ltmp1, $4  }
0xcf: {  	s21 =	smul.u32 $0x76C, s31;
	[tilespmem:s22+$0xFFFFFFEC] =	vst v2  }
0xd0: {  	[tilespmem:s25+$0x11C] =	vst v3  }
0xd1: {  	s21 =	sadd.s32 s2, s21;
	[tilespmem:s25+$0xFFFFFFEC] =	vst v4  }
0xd2: {  	[hbm4b:s21+s3] =	stream.linear.scatter [tilespmem:s13], [sflag:$0x3], $0x3B60, $0x38;
	[tilespmem:$0x10980] =	vst v63  }
.Ltmp2:
0xd3: {  	(pc) =	sbr.rel .LBB2_7-.Ltmp2, $4  }
0xd4: {  	_ = 	snop  }
0xd5: {  	_ =	swait.ge [sflag:s14], $0x3B60  }
0xd6: {  	[sflag:s14] =	ssyncset.done $0x0  }
0xd7: {  	[sflag:s14] =	ssyncadd.s32 $0xFFFFC4A0  }
.LBB2_6:
0xd8: {  	s21 =	smul.u32 $0x1C0, s19;
	_ =	sdelay $0x1  }
0xd9: {  	s21 =	sshra.s32 s21, $0x2  }
.Ltmp3:
0xda: {  	s21 =	sadd.s32 $0x70, s21;
	(pc) =	sbr.rel @p0 .LBB2_8-.Ltmp3, $4  }
0xdb: {  	[tilespmem:s10], [sflag:$0x1] =	stream.indirect.gather [hbm4b:s4+s9], $0x130, s21, s9, $0xb8;
	[tilespmem:$0x10980] =	vst v63  }
0xdc: {  	_ =	swait.ge [sflag:s14], $0x3B60  }
0xdd: {  	[sflag:s14] =	ssyncset.done $0x0  }
0xde: {  	[sflag:s14] =	ssyncadd.s32 $0xFFFFC4A0  }
.LBB2_7:
0xdf: {  	_ =	swait.ge [sflag:s15], $0x3B60  }
0xe0: {  	[sflag:s15] =	ssyncset.done $0x0  }
0xe1: {  	[sflag:s15] =	ssyncadd.s32 $0xFFFFC4A0  }
.LBB2_8:
0xe2: {  	s26 =	simm.s32 $0x5890  }
0xe3: {  	v0 =	vld [tilespmem:s26+$0x0]  }
0xe4: {  	v1 =	vld [tilespmem:s26+$0xFFFFFED0];
	_ =	sdelay $0x2  }
0xe5: {  	s21 =	simm.s32 $0xCF50  }
0xe6: {  	[tilespmem:s21+$0x0] =	vst v0  }
0xe7: {  	[tilespmem:s21+$0xFFFFFED0] =	vst v1;
	v0 =	vld [tilespmem:s26+$0x10]  }
0xe8: {  	v1 =	vld [tilespmem:s26+$0xFFFFFEE0];
	_ =	sdelay $0x3  }
0xe9: {  	[tilespmem:s21+$0x10] =	vst v0  }
0xea: {  	[tilespmem:s21+$0xFFFFFEE0] =	vst v1;
	v0 =	vld [tilespmem:s26+$0x20]  }
0xeb: {  	v1 =	vld [tilespmem:s26+$0xFFFFFEF0];
	_ =	sdelay $0x3  }
0xec: {  	[tilespmem:s21+$0x20] =	vst v0  }
0xed: {  	[tilespmem:s21+$0xFFFFFEF0] =	vst v1;
	v0 =	vld [tilespmem:s26+$0x30]  }
0xee: {  	v1 =	vld [tilespmem:s26+$0xFFFFFF00];
	_ =	sdelay $0x3  }
0xef: {  	[tilespmem:s21+$0x30] =	vst v0  }
0xf0: {  	[tilespmem:s21+$0xFFFFFF00] =	vst v1;
	v0 =	vld [tilespmem:s26+$0x40]  }
0xf1: {  	v1 =	vld [tilespmem:s26+$0xFFFFFF10];
	_ =	sdelay $0x3  }
0xf2: {  	[tilespmem:s21+$0x40] =	vst v0  }
0xf3: {  	[tilespmem:s21+$0xFFFFFF10] =	vst v1;
	v0 =	vld [tilespmem:s26+$0x50]  }
0xf4: {  	v1 =	vld [tilespmem:s26+$0xFFFFFF20];
	_ =	sdelay $0x3  }
0xf5: {  	[tilespmem:s21+$0x50] =	vst v0  }
0xf6: {  	[tilespmem:s21+$0xFFFFFF20] =	vst v1;
	v0 =	vld [tilespmem:s26+$0x60]  }
0xf7: {  	s23 =	simm.s32 $0x5AF0;
	v1 =	vld [tilespmem:s26+$0xFFFFFF30]  }
0xf8: {  	v2 =	vld [tilespmem:s23+$0x0]  }
0xf9: {  	v3 =	vld [tilespmem:s23+$0xFFFFFED0];
	_ =	sdelay $0x1  }
0xfa: {  	[tilespmem:s21+$0x60] =	vst v0  }
0xfb: {  	s22 =	simm.s32 $0xD1B0;
	[tilespmem:s21+$0xFFFFFF30] =	vst v1;
	v0 =	vld [tilespmem:s26+$0x70]  }
0xfc: {  	[tilespmem:s22+$0x0] =	vst v2;
	v1 =	vld [tilespmem:s26+$0xFFFFFF40]  }
0xfd: {  	[tilespmem:s22+$0xFFFFFED0] =	vst v3;
	v2 =	vld [tilespmem:s23+$0x10]  }
0xfe: {  	v3 =	vld [tilespmem:s23+$0xFFFFFEE0];
	_ =	sdelay $0x1  }
0xff: {  	[tilespmem:s21+$0x70] =	vst v0  }
0x100: {  	[tilespmem:s21+$0xFFFFFF40] =	vst v1;
	v0 =	vld [tilespmem:s26+$0x80]  }
0x101: {  	[tilespmem:s22+$0x10] =	vst v2;
	v1 =	vld [tilespmem:s26+$0xFFFFFF50]  }
0x102: {  	[tilespmem:s22+$0xFFFFFEE0] =	vst v3;
	v2 =	vld [tilespmem:s23+$0x20]  }
0x103: {  	v3 =	vld [tilespmem:s23+$0xFFFFFEF0];
	_ =	sdelay $0x1  }
0x104: {  	[tilespmem:s21+$0x80] =	vst v0  }
0x105: {  	[tilespmem:s21+$0xFFFFFF50] =	vst v1;
	v0 =	vld [tilespmem:s26+$0x90]  }
0x106: {  	[tilespmem:s22+$0x20] =	vst v2;
	v1 =	vld [tilespmem:s26+$0xFFFFFF60]  }
0x107: {  	[tilespmem:s22+$0xFFFFFEF0] =	vst v3;
	v2 =	vld [tilespmem:s23+$0x30]  }
0x108: {  	v3 =	vld [tilespmem:s23+$0xFFFFFF00];
	_ =	sdelay $0x1  }
0x109: {  	[tilespmem:s21+$0x90] =	vst v0  }
0x10a: {  	[tilespmem:s21+$0xFFFFFF60] =	vst v1;
	v0 =	vld [tilespmem:s26+$0xA0]  }
0x10b: {  	[tilespmem:s22+$0x30] =	vst v2;
	v1 =	vld [tilespmem:s26+$0xFFFFFF70]  }
0x10c: {  	[tilespmem:s22+$0xFFFFFF00] =	vst v3;
	v2 =	vld [tilespmem:s23+$0x40]  }
0x10d: {  	v3 =	vld [tilespmem:s23+$0xFFFFFF10];
	_ =	sdelay $0x1  }
0x10e: {  	[tilespmem:s21+$0xA0] =	vst v0  }
0x10f: {  	[tilespmem:s21+$0xFFFFFF70] =	vst v1;
	v0 =	vld [tilespmem:s26+$0xB0]  }
0x110: {  	[tilespmem:s22+$0x40] =	vst v2;
	v1 =	vld [tilespmem:s26+$0xFFFFFF80]  }
0x111: {  	[tilespmem:s22+$0xFFFFFF10] =	vst v3;
	v2 =	vld [tilespmem:s23+$0x50]  }
0x112: {  	v3 =	vld [tilespmem:s23+$0xFFFFFF20];
	_ =	sdelay $0x1  }
0x113: {  	[tilespmem:s21+$0xB0] =	vst v0  }
0x114: {  	[tilespmem:s21+$0xFFFFFF80] =	vst v1;
	v0 =	vld [tilespmem:s26+$0xC0]  }
0x115: {  	[tilespmem:s22+$0x50] =	vst v2;
	v1 =	vld [tilespmem:s26+$0xFFFFFF90]  }
0x116: {  	[tilespmem:s22+$0xFFFFFF20] =	vst v3;
	v2 =	vld [tilespmem:s23+$0x60]  }
0x117: {  	s24 =	simm.s32 $0x5D50;
	v3 =	vld [tilespmem:s23+$0xFFFFFF30]  }
0x118: {  	v4 =	vld [tilespmem:s24+$0x0]  }
0x119: {  	v5 =	vld [tilespmem:s24+$0xFFFFFED0];
	[tilespmem:s21+$0xC0] =	vst v0  }
0x11a: {  	[tilespmem:s21+$0xFFFFFF90] =	vst v1;
	v0 =	vld [tilespmem:s26+$0xD0]  }
0x11b: {  	[tilespmem:s22+$0x60] =	vst v2;
	v1 =	vld [tilespmem:s26+$0xFFFFFFA0]  }
0x11c: {  	s25 =	simm.s32 $0xD410;
	[tilespmem:s22+$0xFFFFFF30] =	vst v3;
	v2 =	vld [tilespmem:s23+$0x70]  }
0x11d: {  	[tilespmem:s25+$0x0] =	vst v4;
	v3 =	vld [tilespmem:s23+$0xFFFFFF40]  }
0x11e: {  	[tilespmem:s25+$0xFFFFFED0] =	vst v5;
	v4 =	vld [tilespmem:s24+$0x10]  }
0x11f: {  	v5 =	vld [tilespmem:s24+$0xFFFFFEE0];
	[tilespmem:s21+$0xD0] =	vst v0  }
0x120: {  	[tilespmem:s21+$0xFFFFFFA0] =	vst v1;
	v0 =	vld [tilespmem:s26+$0xE0]  }
0x121: {  	[tilespmem:s22+$0x70] =	vst v2;
	v1 =	vld [tilespmem:s26+$0xFFFFFFB0]  }
0x122: {  	[tilespmem:s22+$0xFFFFFF40] =	vst v3;
	v2 =	vld [tilespmem:s23+$0x80]  }
0x123: {  	[tilespmem:s25+$0x10] =	vst v4;
	v3 =	vld [tilespmem:s23+$0xFFFFFF50]  }
0x124: {  	[tilespmem:s25+$0xFFFFFEE0] =	vst v5;
	v4 =	vld [tilespmem:s24+$0x20]  }
0x125: {  	v5 =	vld [tilespmem:s24+$0xFFFFFEF0];
	[tilespmem:s21+$0xE0] =	vst v0  }
0x126: {  	[tilespmem:s21+$0xFFFFFFB0] =	vst v1;
	v0 =	vld [tilespmem:s26+$0xF0]  }
0x127: {  	[tilespmem:s22+$0x80] =	vst v2;
	v1 =	vld [tilespmem:s26+$0xFFFFFFC0]  }
0x128: {  	[tilespmem:s22+$0xFFFFFF50] =	vst v3;
	v2 =	vld [tilespmem:s23+$0x90]  }
0x129: {  	[tilespmem:s25+$0x20] =	vst v4;
	v3 =	vld [tilespmem:s23+$0xFFFFFF60]  }
0x12a: {  	[tilespmem:s25+$0xFFFFFEF0] =	vst v5;
	v4 =	vld [tilespmem:s24+$0x30]  }
0x12b: {  	v5 =	vld [tilespmem:s24+$0xFFFFFF00];
	[tilespmem:s21+$0xF0] =	vst v0  }
0x12c: {  	[tilespmem:s21+$0xFFFFFFC0] =	vst v1;
	v0 =	vld [tilespmem:s26+$0x100]  }
0x12d: {  	[tilespmem:s22+$0x90] =	vst v2;
	v1 =	vld [tilespmem:s26+$0xFFFFFFD0]  }
0x12e: {  	[tilespmem:s22+$0xFFFFFF60] =	vst v3;
	v2 =	vld [tilespmem:s23+$0xA0]  }
0x12f: {  	[tilespmem:s25+$0x30] =	vst v4;
	v3 =	vld [tilespmem:s23+$0xFFFFFF70]  }
0x130: {  	[tilespmem:s25+$0xFFFFFF00] =	vst v5;
	v4 =	vld [tilespmem:s24+$0x40]  }
0x131: {  	v5 =	vld [tilespmem:s24+$0xFFFFFF10];
	[tilespmem:s21+$0x100] =	vst v0  }
0x132: {  	[tilespmem:s21+$0xFFFFFFD0] =	vst v1;
	v0 =	vld [tilespmem:s26+$0x110]  }
0x133: {  	[tilespmem:s22+$0xA0] =	vst v2;
	v1 =	vld [tilespmem:s26+$0xFFFFFFE0]  }
0x134: {  	[tilespmem:s22+$0xFFFFFF70] =	vst v3;
	v2 =	vld [tilespmem:s23+$0xB0]  }
0x135: {  	[tilespmem:s25+$0x40] =	vst v4;
	v3 =	vld [tilespmem:s23+$0xFFFFFF80]  }
0x136: {  	[tilespmem:s25+$0xFFFFFF10] =	vst v5;
	v4 =	vld [tilespmem:s24+$0x50]  }
0x137: {  	v5 =	vld [tilespmem:s24+$0xFFFFFF20];
	[tilespmem:s21+$0x110] =	vst v0  }
0x138: {  	[tilespmem:s21+$0xFFFFFFE0] =	vst v1;
	v6 =	vld [tilespmem:s26+$0x11C]  }
0x139: {  	[tilespmem:s22+$0xB0] =	vst v2;
	v0 =	vld [tilespmem:s26+$0xFFFFFFEC]  }
0x13a: {  	[tilespmem:s22+$0xFFFFFF80] =	vst v3;
	v1 =	vld [tilespmem:s23+$0xC0]  }
0x13b: {  	[tilespmem:s25+$0x50] =	vst v4;
	v2 =	vld [tilespmem:s23+$0xFFFFFF90]  }
0x13c: {  	[tilespmem:s25+$0xFFFFFF20] =	vst v5;
	v3 =	vld [tilespmem:s24+$0x60]  }
0x13d: {  	s28 =	simm.s32 $0x5FB0;
	v4 =	vld [tilespmem:s24+$0xFFFFFF30];
	s26 =	simm.s32 $0x4;
	[tilespmem:s21+$0x11C] =	vst v6  }
.LBB2_9:
0x13e: {  	v5 =	vld [tilespmem:s28+$0x0];
	s26 =	sadd.s32 $0x2, s26;
	[tilespmem:s21+$0xFFFFFFEC] =	vst v0;
	s21 =	smov.u32 s22;
	s22 =	smov.u32 s25  }
0x13f: {  	v0 =	vld [tilespmem:s28+$0xFFFFFED0];
	p0 =	slt.u32 s26, $0x30;
	[tilespmem:s21+$0xC0] =	vst v1  }
0x140: {  	[tilespmem:s21+$0xFFFFFF90] =	vst v2;
	v1 =	vld [tilespmem:s23+$0xD0]  }
0x141: {  	[tilespmem:s25+$0x60] =	vst v3;
	v2 =	vld [tilespmem:s23+$0xFFFFFFA0]  }
0x142: {  	s25 =	sadd.s32 $0x260, s25;
	[tilespmem:s22+$0xFFFFFF30] =	vst v4;
	v3 =	vld [tilespmem:s24+$0x70]  }
0x143: {  	[tilespmem:s25+$0x0] =	vst v5;
	v4 =	vld [tilespmem:s24+$0xFFFFFF40]  }
0x144: {  	[tilespmem:s25+$0xFFFFFED0] =	vst v0;
	v0 =	vld [tilespmem:s28+$0x10]  }
0x145: {  	v5 =	vld [tilespmem:s28+$0xFFFFFEE0];
	[tilespmem:s21+$0xD0] =	vst v1  }
0x146: {  	[tilespmem:s21+$0xFFFFFFA0] =	vst v2;
	v1 =	vld [tilespmem:s23+$0xE0]  }
0x147: {  	[tilespmem:s22+$0x70] =	vst v3;
	v2 =	vld [tilespmem:s23+$0xFFFFFFB0]  }
0x148: {  	[tilespmem:s22+$0xFFFFFF40] =	vst v4;
	v3 =	vld [tilespmem:s24+$0x80]  }
0x149: {  	[tilespmem:s25+$0x10] =	vst v0;
	v0 =	vld [tilespmem:s24+$0xFFFFFF50]  }
0x14a: {  	[tilespmem:s25+$0xFFFFFEE0] =	vst v5;
	v4 =	vld [tilespmem:s28+$0x20]  }
0x14b: {  	v5 =	vld [tilespmem:s28+$0xFFFFFEF0];
	[tilespmem:s21+$0xE0] =	vst v1  }
0x14c: {  	[tilespmem:s21+$0xFFFFFFB0] =	vst v2;
	v1 =	vld [tilespmem:s23+$0xF0]  }
0x14d: {  	[tilespmem:s22+$0x80] =	vst v3;
	v2 =	vld [tilespmem:s23+$0xFFFFFFC0]  }
0x14e: {  	[tilespmem:s22+$0xFFFFFF50] =	vst v0;
	v0 =	vld [tilespmem:s24+$0x90]  }
0x14f: {  	[tilespmem:s25+$0x20] =	vst v4;
	v3 =	vld [tilespmem:s24+$0xFFFFFF60]  }
0x150: {  	[tilespmem:s25+$0xFFFFFEF0] =	vst v5;
	v4 =	vld [tilespmem:s28+$0x30]  }
0x151: {  	v5 =	vld [tilespmem:s28+$0xFFFFFF00];
	[tilespmem:s21+$0xF0] =	vst v1  }
0x152: {  	[tilespmem:s21+$0xFFFFFFC0] =	vst v2;
	v1 =	vld [tilespmem:s23+$0x100]  }
0x153: {  	[tilespmem:s22+$0x90] =	vst v0;
	v0 =	vld [tilespmem:s23+$0xFFFFFFD0]  }
0x154: {  	[tilespmem:s22+$0xFFFFFF60] =	vst v3;
	v2 =	vld [tilespmem:s24+$0xA0]  }
0x155: {  	[tilespmem:s25+$0x30] =	vst v4;
	v3 =	vld [tilespmem:s24+$0xFFFFFF70]  }
0x156: {  	[tilespmem:s25+$0xFFFFFF00] =	vst v5;
	v4 =	vld [tilespmem:s28+$0x40]  }
0x157: {  	v5 =	vld [tilespmem:s28+$0xFFFFFF10];
	[tilespmem:s21+$0x100] =	vst v1  }
0x158: {  	[tilespmem:s21+$0xFFFFFFD0] =	vst v0;
	v0 =	vld [tilespmem:s23+$0x110]  }
0x159: {  	[tilespmem:s22+$0xA0] =	vst v2;
	v1 =	vld [tilespmem:s23+$0xFFFFFFE0]  }
0x15a: {  	[tilespmem:s22+$0xFFFFFF70] =	vst v3;
	v2 =	vld [tilespmem:s24+$0xB0]  }
0x15b: {  	[tilespmem:s25+$0x40] =	vst v4;
	v3 =	vld [tilespmem:s24+$0xFFFFFF80]  }
0x15c: {  	[tilespmem:s25+$0xFFFFFF10] =	vst v5;
	v4 =	vld [tilespmem:s28+$0x50]  }
0x15d: {  	v5 =	vld [tilespmem:s28+$0xFFFFFF20];
	[tilespmem:s21+$0x110] =	vst v0  }
0x15e: {  	[tilespmem:s21+$0xFFFFFFE0] =	vst v1;
	v6 =	vld [tilespmem:s23+$0x11C]  }
.Ltmp4:
0x15f: {  	[tilespmem:s22+$0xB0] =	vst v2;
	v0 =	vld [tilespmem:s23+$0xFFFFFFEC];
	s23 =	smov.u32 s24;
	s24 =	smov.u32 s28;
	(pc) =	sbr.rel @p0 .LBB2_9-.Ltmp4, $4  }
0x160: {  	[tilespmem:s22+$0xFFFFFF80] =	vst v3;
	v1 =	vld [tilespmem:s23+$0xC0]  }
0x161: {  	[tilespmem:s25+$0x50] =	vst v4;
	v2 =	vld [tilespmem:s23+$0xFFFFFF90]  }
0x162: {  	[tilespmem:s25+$0xFFFFFF20] =	vst v5;
	v3 =	vld [tilespmem:s28+$0x60]  }
0x163: {  	s28 =	sadd.s32 $0x260, s28;
	v4 =	vld [tilespmem:s24+$0xFFFFFF30];
	[tilespmem:s21+$0x11C] =	vst v6  }
0x164: {  	_ =	sdelay $0x2  }
0x165: {  	[tilespmem:s25+$0x60] =	vst v3  }
0x166: {  	[tilespmem:s25+$0xFFFFFF30] =	vst v4;
	v3 =	vld [tilespmem:s24+$0x70]  }
0x167: {  	v4 =	vld [tilespmem:s24+$0xFFFFFF40];
	_ =	sdelay $0x3  }
0x168: {  	[tilespmem:s25+$0x70] =	vst v3  }
0x169: {  	[tilespmem:s25+$0xFFFFFF40] =	vst v4;
	v3 =	vld [tilespmem:s24+$0x80]  }
0x16a: {  	v4 =	vld [tilespmem:s24+$0xFFFFFF50];
	_ =	sdelay $0x3  }
0x16b: {  	[tilespmem:s25+$0x80] =	vst v3  }
0x16c: {  	[tilespmem:s25+$0xFFFFFF50] =	vst v4;
	v3 =	vld [tilespmem:s24+$0x90]  }
0x16d: {  	v4 =	vld [tilespmem:s24+$0xFFFFFF60];
	_ =	sdelay $0x3  }
0x16e: {  	[tilespmem:s25+$0x90] =	vst v3  }
0x16f: {  	[tilespmem:s25+$0xFFFFFF60] =	vst v4;
	v3 =	vld [tilespmem:s24+$0xA0]  }
0x170: {  	v4 =	vld [tilespmem:s24+$0xFFFFFF70];
	_ =	sdelay $0x3  }
0x171: {  	[tilespmem:s25+$0xA0] =	vst v3  }
0x172: {  	[tilespmem:s25+$0xFFFFFF70] =	vst v4;
	v3 =	vld [tilespmem:s24+$0xB0]  }
0x173: {  	v4 =	vld [tilespmem:s24+$0xFFFFFF80];
	_ =	sdelay $0x3  }
0x174: {  	[tilespmem:s25+$0xB0] =	vst v3  }
0x175: {  	[tilespmem:s25+$0xFFFFFF80] =	vst v4;
	v3 =	vld [tilespmem:s24+$0xC0]  }
0x176: {  	v4 =	vld [tilespmem:s24+$0xFFFFFF90];
	_ =	sdelay $0x1  }
0x177: {  	[tilespmem:s22+$0xC0] =	vst v1  }
0x178: {  	[tilespmem:s22+$0xFFFFFF90] =	vst v2;
	v1 =	vld [tilespmem:s23+$0xD0]  }
0x179: {  	v2 =	vld [tilespmem:s23+$0xFFFFFFA0];
	[tilespmem:s25+$0xC0] =	vst v3  }
0x17a: {  	[tilespmem:s25+$0xFFFFFF90] =	vst v4;
	v3 =	vld [tilespmem:s24+$0xD0]  }
0x17b: {  	v4 =	vld [tilespmem:s24+$0xFFFFFFA0];
	_ =	sdelay $0x1  }
0x17c: {  	[tilespmem:s22+$0xD0] =	vst v1  }
0x17d: {  	[tilespmem:s22+$0xFFFFFFA0] =	vst v2;
	v1 =	vld [tilespmem:s23+$0xE0]  }
0x17e: {  	v2 =	vld [tilespmem:s23+$0xFFFFFFB0];
	[tilespmem:s25+$0xD0] =	vst v3  }
0x17f: {  	[tilespmem:s25+$0xFFFFFFA0] =	vst v4;
	v3 =	vld [tilespmem:s24+$0xE0]  }
0x180: {  	v4 =	vld [tilespmem:s24+$0xFFFFFFB0];
	_ =	sdelay $0x1  }
0x181: {  	[tilespmem:s22+$0xE0] =	vst v1  }
0x182: {  	[tilespmem:s22+$0xFFFFFFB0] =	vst v2;
	v1 =	vld [tilespmem:s23+$0xF0]  }
0x183: {  	v2 =	vld [tilespmem:s23+$0xFFFFFFC0];
	[tilespmem:s25+$0xE0] =	vst v3  }
0x184: {  	[tilespmem:s25+$0xFFFFFFB0] =	vst v4;
	v3 =	vld [tilespmem:s24+$0xF0]  }
0x185: {  	v4 =	vld [tilespmem:s24+$0xFFFFFFC0];
	_ =	sdelay $0x1  }
0x186: {  	[tilespmem:s22+$0xF0] =	vst v1  }
0x187: {  	[tilespmem:s22+$0xFFFFFFC0] =	vst v2;
	v1 =	vld [tilespmem:s23+$0x100]  }
0x188: {  	v2 =	vld [tilespmem:s23+$0xFFFFFFD0];
	[tilespmem:s25+$0xF0] =	vst v3  }
0x189: {  	[tilespmem:s25+$0xFFFFFFC0] =	vst v4;
	v3 =	vld [tilespmem:s24+$0x100]  }
0x18a: {  	v4 =	vld [tilespmem:s24+$0xFFFFFFD0];
	_ =	sdelay $0x1  }
0x18b: {  	[tilespmem:s22+$0x100] =	vst v1  }
0x18c: {  	[tilespmem:s22+$0xFFFFFFD0] =	vst v2;
	v1 =	vld [tilespmem:s23+$0x110]  }
0x18d: {  	v2 =	vld [tilespmem:s23+$0xFFFFFFE0];
	[tilespmem:s25+$0x100] =	vst v3  }
0x18e: {  	[tilespmem:s25+$0xFFFFFFD0] =	vst v4;
	v3 =	vld [tilespmem:s24+$0x110]  }
0x18f: {  	v4 =	vld [tilespmem:s24+$0xFFFFFFE0];
	_ =	sdelay $0x1  }
0x190: {  	[tilespmem:s22+$0x110] =	vst v1  }
0x191: {  	[tilespmem:s22+$0xFFFFFFE0] =	vst v2;
	v1 =	vld [tilespmem:s23+$0x11C]  }
0x192: {  	v2 =	vld [tilespmem:s23+$0xFFFFFFEC];
	[tilespmem:s25+$0x110] =	vst v3  }
0x193: {  	[tilespmem:s25+$0xFFFFFFE0] =	vst v4;
	v3 =	vld [tilespmem:s24+$0x11C]  }
0x194: {  	s19 =	sadd.s32 $0x1, s19;
	v4 =	vld [tilespmem:s24+$0xFFFFFFEC]  }
0x195: {  	[tilespmem:s21+$0xFFFFFFEC] =	vst v0;
	p0 =	sne.s32 s19, $0x40  }
.Ltmp5:
0x196: {  	s20 =	sadd.s32 s5, s20;
	[tilespmem:s22+$0x11C] =	vst v1;
	(pc) =	sbr.rel @p0 .LBB2_2-.Ltmp5, $4  }
0x197: {  	s20 =	smul.u32 $0x76C, s20;
	[tilespmem:s22+$0xFFFFFFEC] =	vst v2  }
0x198: {  	[tilespmem:s25+$0x11C] =	vst v3  }
0x199: {  	s20 =	sadd.s32 s2, s20;
	[tilespmem:s25+$0xFFFFFFEC] =	vst v4  }
0x19a: {  	[hbm4b:s20+s3] =	stream.linear.scatter [tilespmem:s16], [sflag:$0x4], $0x3B60, $0x38;
	[tilespmem:$0x10980] =	vst v63  }
0x19b: {  	s18 =	sadd.s32 $0x1, s18  }
0x19c: {  	_ =	swait.ge [sflag:s17], $0x3B60;
	p0 =	sne.s32 s18, s7  }
.Ltmp6:
0x19d: {  	[sflag:s17] =	ssyncset.done $0x0;
	(pc) =	sbr.rel @p0 .LBB2_1-.Ltmp6, $4  }
0x19e: {  	[sflag:s17] =	ssyncadd.s32 $0xFFFFC4A0  }
0x19f: {  	_ =	swait.ge [sflag:s15], $0x3B60  }
0x1a0: {  	[sflag:s15] =	ssyncset.done $0x0  }
0x1a1: {  	[sflag:s15] =	ssyncadd.s32 $0xFFFFC4A0  }
0x1a2: {  	_ =	sfence.sel $0x180000  }
0x1a3: {  	[bflag:$0x0] =	sbarrier.arrive $0xFFFF  }
0x1a4: {  	p0 =	sne.s32 s0, $0x0;
	_ =	strace $0x90000047  }
0x1a5: {  	s0 =	sadd.s32 @!p0 $0x100000, s1;
	[bflag:$0x2] =	sbarrier.arrive $0xFFFF  }
0x1a6: {  	[sflag:s0] =	ssyncadd.tile.s32 @!p0 $0x1;
	_ =	shalt  }
.Lfunc_end2:
_tile_overlayer_lowered:
.L_overlay_start_2:
0x1a7: {  	(tag) =	ssettag $0x2  }
0x1a8: {  	s0 =	rddreg [dreg:$0x0];
	s2 =	stileid.u32  }
0x1a9: {  	s1 =	rddreg [dreg:$0x1];
	p0 =	sne.s32 s2, $0x0  }
0x1aa: {  	s3 =	rddreg [dreg:$0x2];
	[bflag:$0x3] =	sbarrier.arrive $0xFFFF;
	s2 =	simm.s32 @!p0 $0x1C05  }
0x1ab: {  	[timem:s3], [sflag:s2] =	dma.local @!p0 [hbm:s0], s1  }
0x1ac: {  	s0 =	simm.s32 @!p0 $0x5  }
0x1ad: {  	_ =	swait.ge @!p0 [sflag:s0], s1  }
0x1ae: {  	s1 =	ssub.s32 @!p0 $0x0, s1;
	[sflag:s0] =	ssyncset.done @!p0 $0x0  }
0x1af: {  	[sflag:s0] =	ssyncadd.s32 @!p0 s1  }
0x1b0: {  	[bflag:$0x3] =	sbarrier.arrive $0xFFFF  }
0x1b1: {  	_ =	shalt  }

// kernel: sparse-core-data-format-call.cloned.1.call-start
scs
called_computation_lowered:
.L_overlay_start_0:
0x0: {  	s2 =	sld [smem:$0x3FD9]  }
0x1: {  	s3 =	sld [smem:$0x3FFE];
	_ =	sdelay $0x1  }
0x2: {  	s1 =	srdreg.scid  }
0x3: {  	s0 =	sand.u32 $0x1, s1  }
0x4: {  	s18 =	sshll.u32 s0, $0xA;
	s2 =	sadd.s32 s3, s2  }
0x5: {  	s2 =	sadd.s32 s2, s18  }
0x6: {  	[smem:$0x3FC6] =	sst s2  }
0x7: {  	_ = 	snop  }
0x8: {  	s2 =	sld [smem:$0x3FD0];
	(tm) =	ssettm $0x1  }
0x9: {  	s19 =	sld [smem:$0x3FFB];
	_ =	sdelay $0x3  }
0xa: {  	_ =	strace s19  }
0xb: {  	s3 =	sld [smem:$0x3FFC];
	_ =	sdelay $0x3  }
0xc: {  	_ =	strace s3  }
0xd: {  	s3 =	sld [smem:$0x3FFD];
	_ =	sdelay $0x3  }
0xe: {  	_ =	strace s3  }
0xf: {  	_ =	strace $0x8FFFFFFF  }
0x10: {  	s20 =	sld [smem:$0x3FDB];
	_ =	sdelay $0x1  }
0x11: {  	s4 =	simm.s32 $_scs_section_size  }
0x12: {  	s5 =	simm.s32 $_size__tile_overlayer_lowered;
	s6 =	simm.s32 $_tile_overlayer_lowered  }
0x13: {  	s23 =	simm.s32 $0x1BFF;
	s22 =	sshll.u32 s6, $0x1;
	s3 =	sadd.s32 s4, s20  }
0x14: {  	s7 =	simm.s32 $0x0;
	s21 =	sshll.u32 s5, $0x1;
	s5 =	sadd.s32 s22, s3  }
0x15: {  	[timem:s7], [sflag:s23] =	dma.local [hbm:s5], s21  }
0x16: {  	_ =	swait.ge [sflag:s23], s21  }
0x17: {  	s4 =	ssub.s32 $0x0, s21;
	[sflag:s23] =	ssyncset.done $0x0  }
0x18: {  	[sflag:s23] =	ssyncadd.s32 s4;
	_ =	sdelay $0x1  }
0x19: {  	s24 =	simm.s32 $0x1B8B  }
0x1a: {  	_ =	swait.ge [sflag:s24], $0x1  }
0x1b: {  	[sflag:s24] =	ssyncset.done $0x0  }
0x1c: {  	s26 =	simm.s32 $0x1B8E;
	s25 =	sld [smem:$0x3FFE];
	[sflag:s24] =	ssyncadd.s32 $0xFFFFFFFF  }
0x1d: {  	s27 =	simm.s32 $execute0_lowered;
	[smem:$0x3FD2] =	sst s26  }
0x1e: {  	s5 =	sshll.u32 s27, $0x1;
	_ =	strace $0x80000049;
	[dreg:$0x1] =	wrdreg $0xFFFFFFFF  }
0x1f: {  	s28 =	simm.s32 $_size_execute0_lowered;
	s3 =	sadd.s32 s3, s5;
	[dreg:$0x0] =	wrdreg $0x0  }
0x20: {  	s5 =	sshll.u32 s28, $0x1;
	[dreg:$0x2] =	wrdreg s3  }
0x21: {  	[dreg:$0x3] =	wrdreg s5  }
0x22: {  	[dreg:$0x4] =	wrdreg $0xC0  }
0x23: {  	_ =	task [dreg:s7], $0x5FFFF  }
0x24: {  	[dreg:$0x1] =	wrdreg $0xFFFFFFFF  }
0x25: {  	[dreg:$0x0] =	wrdreg $0x60  }
0x26: {  	[dreg:$0x2] =	wrdreg s25  }
0x27: {  	[dreg:$0x3] =	wrdreg s2  }
0x28: {  	[dreg:$0x4] =	wrdreg $0x9  }
0x29: {  	_ =	task.clear_ibuf [dreg:s7], $0x5FFFF;
	_ =	strace $0x90000049  }
0x2a: {  	s29 =	simm.s32 $0x9;
	_ =	strace $0x8000004B  }
0x2b: {  	_ =	swait.ge [sflag:s29], $0x1  }
0x2c: {  	[sflag:s29] =	ssyncadd.s32 $0xFFFFFFFF  }
0x2d: {  	_ =	strace $0x9000004B  }
0x2e: {  	_ =	sfence  }
0x2f: {  	s30 =	sld [smem:$0x0];
	_ =	sdelay $0x2  }
0x30: {  	s31 =	sshll.u32 s1, $0xD;
	s1 =	sshrl.u32 s1, $0x2  }
0x31: {  	s3 =	sand.u32 $0x4000, s31;
	s1 =	sadd.s32 s1, s30  }
0x32: {  	s0 =	sor.u32 s3, s0;
	s1 =	sshll.u32 s1, $0x11  }
0x33: {  	s0 =	sor.u32 s1, s0  }
0x34: {  	s0 =	sadd.s32 $0x8F2B, s0  }
0x35: {  	[sflag:s0] =	ssyncadd.remote.s32 $0x1  }
0x36: {  	_ =	sfence.sel $0xFFFF  }
0x37: {  	[dreg:$0x0] =	wrdreg $0xFFFFFFFF;
	(pc) =	sbr.abs _section_cstart, $3  }
0x38: {  	[dreg:$0x1] =	wrdreg $0xFFFFFFFF  }
0x39: {  	_ =	task.clear_ibuf [dreg:s7], $0x2FFFF;
	_ =	strace $0x9FFFFFFF  }
0x3a: {  	(tm) =	ssettm $0x7FFFFFFF  }
0x3b: {  	_ =	shalt  }
tec
execute0_lowered:
.L_overlay_start_1:
0x0: {  	(tag) =	ssettag $0x1  }
0x1: {  	s0 =	srdreg.scid;
	s6 =	rddreg [dreg:$0x0]  }
0x2: {  	s3 =	rddreg [dreg:$0x1];
	s1 =	sshll.u32 s0, $0x4  }
0x3: {  	s5 =	simm.s32 $0x1;
	s0 =	stileid.u32;
	s1 =	sand.u32 $0x10, s1  }
0x4: {  	s31 =	simm.s32 $0x2;
	s16 =	simm.s32 $0x0;
	s1 =	sor.u32 s0, s1  }
0x5: {  	s8 =	simm.s32 $0x8000;
	s18 =	simm.s32 $0x0;
	s2 =	sshll.u32 s1, $0x7  }
0x6: {  	s17 =	simm.s32 $0x0;
	s9 =	simm.s32 $0x0;
	s4 =	ssub.s32 $0x1000, s2  }
0x7: {  	s10 =	simm.s32 $0x0;
	s11 =	simm.s32 $0x0;
	s30 =	sand.u32 $0xF80, s4  }
0x8: {  	s12 =	simm.s32 $0x0;
	s13 =	simm.s32 $0x0;
	p0 =	sne.s32 s30, $0x0  }
.Ltmp0:
0x9: {  	s7 =	sshrl.u32 s4, $0xC;
	s5 =	simm.s32 @!p0 $0x0;
	(pc) =	sbr.rel .LBB1_1-.Ltmp0, $4  }
0xa: {  	s15 =	simm.s32 $0x0;
	s1 =	rddreg [dreg:$0x2];
	s5 =	sadd.s32 s5, s7  }
0xb: {  	_ =	strace $0x8000004A;
	s4 =	simm.s32 $0x1;
	s5 =	smul.u32 $0x96, s5  }
0xc: {  	s6 =	sadd.s32 $0x800, s6;
	s14 =	smov.u32 s2;
	[sflag:s4] =	ssyncpa.u1 $0x0  }
0xd: {  	[sflag:s31] =	ssyncpa.u1 $0x0;
	p0 =	por $0x0, $0x0;
	s7 =	sor.u32 $0x1, s5  }
.LBB1_4:
0xe: {  	s23 =	sshra.s32 s23, $0x2;
	s30 =	sshll.u32 s9, $0xC  }
0xf: {  	p1 =	sgt.s32 s10, $0x31;
	s24 =	smov.u32 s10;
	s25 =	sshra.s32 s10, $0x1F  }
0x10: {  	s26 =	sshll.u32 s11, $0x3;
	s28 =	smov.u32 s11;
	s29 =	sshra.s32 s11, $0x1F  }
0x11: {  	s22 =	sadd.s32 s23, s22;
	s24 =	simm.s32 @!p1 $0x31;
	s25 =	sand.u32 s25, s10  }
0x12: {  	s23 =	sand.u32 $0xFFFF8000, s30;
	s27 =	sand.u32 $0xFFFFFC00, s26;
	p1 =	sgt.s32 s9, $0xB0  }
0x13: {  	s31 =	sand.u32 s29, s11;
	s29 =	sshll.u32 s9, $0x7;
	s30 =	sshra.s32 s9, $0x1F  }
0x14: {  	[tilespmem:s21+$0x2040 ss:$0x81] =	vst.msk $0xffff, v4;
	s24 =	ssub.s32 s24, s25;
	s23 =	sadd.s32 s27, s23;
	s27 =	smov.u32 s9  }
0x15: {  	[tilespmem:s21+$0x2850 ss:$0x81] =	vst.msk $0xffff, v3;
	s29 =	sand.u32 $0x380, s29;
	s25 =	sadd.s32 $0xFFFFFFCF, s24;
	s27 =	simm.s32 @!p1 $0xB0  }
0x16: {  	v5 =	vld [tilespmem:s20+$0xFFFFFFD0];
	[tilespmem:s21+$0x3060 ss:$0x81] =	vst.msk $0xffff, v2;
	p1 =	sgt.s32 s11, $0xF80;
	s23 =	sshrl.u32 s23, $0xC;
	s24 =	ssub.s32 $0x32, s24  }
0x17: {  	v58 =	vld [tilespmem:s20+$0xFFFFFFE0];
	[tilespmem:s21+$0x0 ss:$0x81] =	vst.msk $0xffff, v1;
	s28 =	simm.s32 @!p1 $0xF80;
	p1 =	sgt.s32 s25, $0x0;
	s21 =	smulhi.u32 $0xD79436, s23  }
0x18: {  	v59 =	vld [tilespmem:s20+$0xFFFFFFF0];
	s25 =	ssub.s32 s28, s31;
	s28 =	sand.u32 s30, s9;
	s24 =	simm.s32 @p1 $0x0  }
0x19: {  	v60 =	vld [tilespmem:s20+$0x0];
	s27 =	ssub.s32 s27, s28;
	s31 =	sadd.s32 $0xFFFFF080, s25;
	s25 =	ssub.s32 $0x1000, s25  }
0x1a: {  	v61 =	vld [tilespmem:s20+$0x10];
	[tilespmem:s22+$0x3870 ss:$0x81] =	vst.msk $0xffff, v0;
	s21 =	smul.u32 $0x130, s21;
	s28 =	sand.u32 $0x7, s11;
	p1 =	sgt.s32 s31, $0x7F  }
0x1b: {  	v62 =	vld [tilespmem:s20+$0x20];
	[tilespmem:s22+$0x810 ss:$0x81] =	vst.msk $0xffff, v5;
	s30 =	sadd.s32 $0xFFFFFF50, s27;
	s31 =	sand.u32 $0x78, s11;
	s25 =	simm.s32 @p1 $0x0  }
0x1c: {  	v63 =	vld [tilespmem:s20+$0xFFFFFFC0];
	[tilespmem:s22+$0x1020 ss:$0x81] =	vst.msk $0xffff, v58;
	p1 =	sgt.s32 s30, $0x7F;
	s30 =	sand.u32 $0xC00, s26;
	s24 =	smul.u32 s25, s24  }
0x1d: {  	[tilespmem:s22+$0x1830 ss:$0x81] =	vst.msk $0xffff, v59;
	s26 =	ssub.s32 $0x130, s27;
	s20 =	sor.u32 s31, s30;
	s31 =	smul.u32 $0x26000, s10  }
0x1e: {  	[tilespmem:s22+$0x2040 ss:$0x81] =	vst.msk $0xffff, v60;
	s21 =	ssub.s32 s23, s21;
	s26 =	simm.s32 @p1 $0x0;
	s20 =	sor.u32 s29, s20  }
0x1f: {  	[tilespmem:s22+$0x2850 ss:$0x81] =	vst.msk $0xffff, v61;
	s26 =	smul.u32 s26, s24;
	s20 =	sshrl.u32 s20, $0x3;
	s27 =	sadd.s32 s3, s31  }
0x20: {  	[tilespmem:s22+$0x3060 ss:$0x81] =	vst.msk $0xffff, v62;
	s21 =	sshll.u32 s21, $0x9;
	s29 =	sshll.u32 s28, $0x12;
	s20 =	sadd.s32 s20, s27  }
0x21: {  	[tilespmem:s22+$0x0 ss:$0x81] =	vst.msk $0xffff, v63;
	s31 =	sor.u32 $0x400, s29;
	s30 =	sand.u32 $0x3FFFFFFF, s26;
	s20 =	sadd.s32 s21, s20  }
0x22: {  	[hbm4b:s20+s31] =	stream.strided.scatter [tilespmem:s19], [sflag:$0x2], s30, s8, s31, $0x20;
	[tilespmem:$0x10100] =	vst v63  }
.LBB1_5:
0x23: {  	p1 =	slt.u32 s15, $0x2  }
0x24: {  	p2 =	sgt.s32 @!p1 s18, $0x31  }
0x25: {  	s19 =	smov.u32 s18;
	s20 =	sshra.s32 @!p1 s18, $0x1F;
	p2 =	por !p2, p1  }
0x26: {  	s18 =	sand.u32 @!p1 s20, s18;
	s19 =	simm.s32 @p2 $0x31  }
0x27: {  	p3 =	sgt.s32 @!p1 s16, $0xB0;
	s18 =	ssub.s32 @!p1 s19, s18  }
0x28: {  	p4 =	sgt.s32 @!p1 s17, $0xF80;
	s21 =	sshra.s32 @!p1 s17, $0x1F;
	s19 =	sadd.s32 @!p1 $0xFFFFFFCF, s18  }
0x29: {  	s20 =	smov.u32 s16;
	p2 =	sgt.s32 @!p1 s19, $0x0;
	s19 =	sshra.s32 @!p1 s16, $0x1F  }
0x2a: {  	p4 =	por !p4, p1;
	s16 =	sand.u32 @!p1 s19, s16;
	s19 =	smov.u32 s17  }
0x2b: {  	p3 =	por !p3, p1;
	s17 =	sand.u32 @!p1 s21, s17;
	s19 =	simm.s32 @p4 $0xF80  }
0x2c: {  	s20 =	simm.s32 @p3 $0xB0;
	s18 =	ssub.s32 @!p1 $0x32, s18;
	s17 =	ssub.s32 @!p1 s19, s17  }
0x2d: {  	p2 =	por !p2, p1;
	s16 =	ssub.s32 @!p1 s20, s16;
	s20 =	sadd.s32 @!p1 $0xFFFFF080, s17  }
0x2e: {  	s18 =	simm.s32 @!p2 $0x0;
	p3 =	sgt.s32 @!p1 s20, $0x7F  }
0x2f: {  	s19 =	sadd.s32 @!p1 $0xFFFFFF50, s16;
	s17 =	ssub.s32 @!p1 $0x1000, s17;
	p3 =	por !p3, p1  }
0x30: {  	p2 =	sgt.s32 @!p1 s19, $0x7F;
	s19 =	sadd.s32 $0x80, s12;
	s17 =	simm.s32 @!p3 $0x0  }
0x31: {  	p3 =	sgt.s32 s19, $0x12B;
	s17 =	smul.u32 @!p1 s17, s18;
	s18 =	simm.s32 $0x1  }
0x32: {  	s16 =	ssub.s32 @!p1 $0x130, s16;
	p2 =	por !p2, p1;
	s18 =	simm.s32 @!p3 $0x0  }
0x33: {  	s21 =	smov.u32 s14;
	s16 =	simm.s32 @!p2 $0x0;
	s20 =	sadd.s32 s18, s13  }
0x34: {  	s16 =	smul.u32 @!p1 s16, s17;
	s17 =	sadd.s32 $0x1000, s14;
	p2 =	sgt.s32 s20, $0x31  }
0x35: {  	p0 =	por !p0, !p0;
	s22 =	simm.s32 @!p1 $0x2;
	s21 =	smov.u32 @p2 s17  }
0x36: {  	s19 =	simm.s32 @p3 $0x0;
	s20 =	simm.s32 @p2 $0x0;
	p2 =	sgt.s32 s21, $0xFFF  }
0x37: {  	s18 =	smov.u32 s10;
	s21 =	smov.u32 @p2 s2;
	p2 =	sne.s32 s15, s7  }
.Ltmp1:
0x38: {  	s10 =	smov.u32 s13;
	s16 =	sand.u32 @!p1 $0x3FFFFFFF, s16;
	(pc) =	sbr.rel @!p2 .LBB1_6-.Ltmp1, $4  }
0x39: {  	s17 =	smov.u32 s11;
	s11 =	smov.u32 s14;
	_ =	swait.ge @!p1 [sflag:s22], s16  }
0x3a: {  	s23 =	ssub.s32 @!p1 $0x0, s16;
	s16 =	smov.u32 s9;
	s9 =	smov.u32 s12  }
0x3b: {  	s12 =	smov.u32 s19;
	s13 =	smov.u32 s20;
	[sflag:s22] =	ssyncset.done @!p1 $0x0  }
0x3c: {  	s15 =	sadd.s32 $0x1, s15;
	[sflag:s22] =	ssyncadd.s32 @!p1 s23;
	s14 =	smov.u32 s21  }
.LBB1_1:
0x3d: {  	p1 =	sge.u32 s15, s5  }
0x3e: {  	s19 =	sshrl.u32 @!p1 s13, $0x3  }
0x3f: {  	s20 =	sshll.u32 @!p1 s12, $0x3;
	s19 =	smul.u32 @!p1 $0xC00, s19  }
0x40: {  	s21 =	sshll.u32 @!p1 s13, $0x7;
	s20 =	sand.u32 @!p1 $0xFFFFFC00, s20  }
0x41: {  	s19 =	sadd.s32 @!p1 s19, s20;
	s20 =	sand.u32 @!p1 $0x380, s21  }
0x42: {  	s19 =	sor.u32 @!p1 s20, s19  }
0x43: {  	s20 =	sand.u32 @!p1 $0x7F, s12;
	s21 =	smulhi.u32 @!p1 $0xAAAAAAAB, s19  }
0x44: {  	s19 =	sor.u32 @!p1 s20, s19  }
0x45: {  	s20 =	smulhi.u32 @!p1 $0xAAAAAAAB, s19;
	s21 =	sshrl.u32 @!p1 s21, $0x8  }
0x46: {  	s22 =	smulhi.u32 @!p1 $0x4924925, s21;
	_ =	sdelay $0x1  }
0x47: {  	s20 =	sshrl.u32 @!p1 s20, $0x8;
	s22 =	smul.u32 @!p1 $0x38, s22  }
0x48: {  	s31 =	sadd.s32 $0xFFFFFFFF, s15;
	s20 =	smul.u32 @!p1 $0x180, s20  }
0x49: {  	s23 =	sxor.u32 @!p1 $0xFFFFFFFF, s15;
	s21 =	ssub.s32 @!p1 s21, s22;
	s22 =	smul.u32 @!p1 $0xA80, s14  }
0x4a: {  	s23 =	sshll.u32 @!p1 s23, $0xE;
	s19 =	ssub.s32 @!p1 s19, s20;
	s20 =	smul.u32 @!p1 $0x30, s21  }
0x4b: {  	s21 =	sand.u32 @!p1 $0x4000, s23;
	s23 =	sand.u32 @!p1 $0x7, s19;
	s22 =	sadd.s32 @!p1 s6, s22  }
0x4c: {  	s19 =	sshrl.u32 @!p1 s19, $0x3;
	s20 =	sadd.s32 @!p1 s20, s22;
	s22 =	sshll.u32 @!p1 s23, $0x12  }
0x4d: {  	s19 =	sadd.s32 @!p1 s19, s20;
	s20 =	sor.u32 @!p1 $0x80, s22;
	s22 =	simm.s32 @!p1 $0x5400  }
0x4e: {  	[tilespmem:s21], [sflag:$0x1] =	stream.strided.gather @!p1 [hbm4b:s19+s20], $0x4000, s22, s20, $0x38;
	[tilespmem:$0x10100] =	vst v63  }
0x4f: {  	p1 =	sge.u32 s31, s5  }
.Ltmp2:
0x50: {  	_ = 	snop;
	(pc) =	sbr.rel @p1 .LBB1_5-.Ltmp2, $1  }
0x51: {  	_ =	sdelay $0x3  }
0x52: {  	s19 =	simm.s32 $0x1  }
0x53: {  	_ =	swait.ge [sflag:s4], $0x4000;
	s19 =	simm.s32 @!p0 $0x0  }
0x54: {  	[sflag:s4] =	ssyncset.done $0x0;
	s20 =	sshll.u32 s19, $0xE  }
0x55: {  	[sflag:s4] =	ssyncadd.s32 $0xFFFFC000;
	s20 =	sor.u32 $0x40, s20  }
0x56: {  	s19 =	smul.u32 $0x10200, s19;
	v0 =	vld [tilespmem:s20+$0x30]  }
0x57: {  	v1 =	vld [tilespmem:s20+$0xFFFFFFD0]  }
0x58: {  	s19 =	sshrl.u32 s19, $0x2;
	v5 =	vld [tilespmem:s20+$0xFFFFFFE0]  }
0x59: {  	v6 =	vld [tilespmem:s20+$0xFFFFFFF0];
	s22 =	sor.u32 $0x8000, s19  }
0x5a: {  	s31 =	sand.u32 $0x1, s15;
	v4 =	vld [tilespmem:s20+$0x0];
	s21 =	sadd.s32 $0x0, s22  }
0x5b: {  	v3 =	vld [tilespmem:s20+$0x10];
	s19 =	smul.u32 $0x10200, s31;
	[tilespmem:s21+$0x3870 ss:$0x81] =	vst.msk $0xffff, v0  }
0x5c: {  	v2 =	vld [tilespmem:s20+$0x20];
	[tilespmem:s21+$0x810 ss:$0x81] =	vst.msk $0xffff, v1  }
0x5d: {  	s19 =	sshrl.u32 s19, $0x2;
	v1 =	vld [tilespmem:s20+$0xFFFFFFC0];
	[tilespmem:s21+$0x1020 ss:$0x81] =	vst.msk $0xffff, v5;
	s20 =	sadd.s32 $0x80, s20  }
0x5e: {  	s23 =	simm.s32 $0x4;
	s24 =	simm.s32 $0x8;
	s19 =	sor.u32 $0x8000, s19;
	[tilespmem:s21+$0x1830 ss:$0x81] =	vst.msk $0xffff, v6;
	v0 =	vld [tilespmem:s20+$0x30]  }
.LBB1_3:
0x5f: {  	p1 =	sne.s32 s24, $0x1FC;
	v5 =	vld [tilespmem:s20+$0xFFFFFFD0];
	[tilespmem:s21+$0x2040 ss:$0x81] =	vst.msk $0xffff, v4  }
0x60: {  	v6 =	vld [tilespmem:s20+$0xFFFFFFE0];
	[tilespmem:s21+$0x2850 ss:$0x81] =	vst.msk $0xffff, v3  }
0x61: {  	s25 =	sshra.s32 s23, $0x2;
	s23 =	smov.u32 s24;
	v7 =	vld [tilespmem:s20+$0xFFFFFFF0];
	[tilespmem:s21+$0x3060 ss:$0x81] =	vst.msk $0xffff, v2  }
.Ltmp3:
0x62: {  	v4 =	vld [tilespmem:s20+$0x0];
	[tilespmem:s21+$0x0 ss:$0x81] =	vst.msk $0xffff, v1;
	s21 =	sadd.s32 s25, s22;
	(pc) =	sbr.rel @p1 .LBB1_3-.Ltmp3, $4  }
0x63: {  	v3 =	vld [tilespmem:s20+$0x10];
	[tilespmem:s21+$0x3870 ss:$0x81] =	vst.msk $0xffff, v0  }
0x64: {  	[tilespmem:s21+$0x810 ss:$0x81] =	vst.msk $0xffff, v5;
	v2 =	vld [tilespmem:s20+$0x20]  }
0x65: {  	v1 =	vld [tilespmem:s20+$0xFFFFFFC0];
	[tilespmem:s21+$0x1020 ss:$0x81] =	vst.msk $0xffff, v6;
	s20 =	sadd.s32 $0x80, s20  }
0x66: {  	s24 =	sadd.s32 $0x4, s24;
	v0 =	vld [tilespmem:s20+$0x30];
	[tilespmem:s21+$0x1830 ss:$0x81] =	vst.msk $0xffff, v7  }
.Ltmp4:
0x67: {  	_ = 	snop;
	(pc) =	sbr.rel .LBB1_4-.Ltmp4, $1  }
0x68: {  	_ =	sdelay $0x3  }
.LBB1_6:
0x69: {  	_ =	sfence.sel $0x180000  }
0x6a: {  	s2 =	simm.s32 $0x1;
	[bflag:$0x0] =	sbarrier.arrive $0xFFFF  }
0x6b: {  	s31 =	simm.s32 $0x2;
	[sflag:s2] =	ssyncpa.u1 $0x1  }
0x6c: {  	[sflag:s31] =	ssyncpa.u1 $0x1  }
0x6d: {  	p0 =	sne.s32 s0, $0x0;
	_ =	strace $0x9000004A  }
0x6e: {  	s0 =	sadd.s32 @!p0 $0x100000, s1;
	[bflag:$0x2] =	sbarrier.arrive $0xFFFF  }
0x6f: {  	[sflag:s0] =	ssyncadd.tile.s32 @!p0 $0x1;
	_ =	shalt  }
.Lfunc_end1:
_tile_overlayer_lowered:
.L_overlay_start_2:
0x70: {  	(tag) =	ssettag $0x2  }
0x71: {  	s0 =	rddreg [dreg:$0x0];
	s2 =	stileid.u32  }
0x72: {  	s1 =	rddreg [dreg:$0x1];
	p0 =	sne.s32 s2, $0x0  }
0x73: {  	s3 =	rddreg [dreg:$0x2];
	[bflag:$0x3] =	sbarrier.arrive $0xFFFF;
	s2 =	simm.s32 @!p0 $0x1C01  }
0x74: {  	[timem:s3], [sflag:s2] =	dma.local @!p0 [hbm:s0], s1  }
0x75: {  	s0 =	simm.s32 @!p0 $0x1  }
0x76: {  	_ =	swait.ge @!p0 [sflag:s0], s1  }
0x77: {  	s1 =	ssub.s32 @!p0 $0x0, s1;
	[sflag:s0] =	ssyncset.done @!p0 $0x0  }
0x78: {  	[sflag:s0] =	ssyncadd.s32 @!p0 s1  }
0x79: {  	[bflag:$0x3] =	sbarrier.arrive $0xFFFF  }
0x7a: {  	_ =	shalt  }

</sc_bundles>
